<compile_context>
chip_gen: v7x
topology: tpu7x:2x2x1
jax: 0.10.2.dev20260603
libtpu: 0.0.44.dev20260713+nightly
codegen_flags: <defaults>
</compile_context>

<pallas_src>
import functools

import jax
import jax.numpy as jnp
from jax import lax
from jax.experimental import pallas as pl
from jax.experimental.pallas import tpu as pltpu
from jax.experimental.pallas import tpu_sc as plsc

NUM_EMB = 100000
EMB_DIM = 32
BATCH = 16384

_G = 25088
_NROW = _G
_LSTEP = 3584
_TGRID = _G // _LSTEP

_INFO = plsc.get_sparse_core_info()
_NC = _INFO.num_cores
_NS = _INFO.num_subcores
_NW = _NC * _NS
_B_PER_W = BATCH // _NW
_GCHUNK = 128
_NGATHER = _B_PER_W // _GCHUNK
_OSTRIDE = _B_PER_W + 1


def _retile_body(t0, t1, t2, t3, out_ref):
    parts = [r[...].T for r in (t0, t1, t2, t3)]
    out_ref[...] = jnp.concatenate(parts, axis=1)


_retile = pl.pallas_call(
    _retile_body,
    grid=(_TGRID,),
    in_specs=[
        pl.BlockSpec(
            (EMB_DIM, _LSTEP),
            functools.partial(lambda j, a: (0, j * _TGRID + a), j),
        )
        for j in range(4)
    ],
    out_specs=pl.BlockSpec((_LSTEP, 128), lambda a: (a, 0)),
    out_shape=jax.ShapeDtypeStruct((_NROW, 128), jnp.float32),
)


@functools.partial(
    pl.kernel,
    mesh=plsc.VectorSubcoreMesh(core_axis_name="c", subcore_axis_name="s"),
    out_type=jax.ShapeDtypeStruct((EMB_DIM, BATCH), jnp.float32),
    scratch_types=[
        pltpu.VMEM((_B_PER_W,), jnp.int32),
        pltpu.VMEM((_NGATHER, _GCHUNK), jnp.int32),
        pltpu.VMEM((_B_PER_W, 128), jnp.float32),
        pltpu.VMEM((EMB_DIM, _OSTRIDE), jnp.float32),
        pltpu.SemaphoreType.DMA,
    ],
    compiler_params=pltpu.CompilerParams(needs_layout_passes=False),
)
def _embed_lookup(idx_hbm, tab_hbm, out_hbm, idx_v, q_v, rows_v, outt_v, sem):
    wid = lax.axis_index("s") * _NC + lax.axis_index("c")
    base = wid * _B_PER_W
    pltpu.sync_copy(idx_hbm.at[pl.ds(base, _B_PER_W)], idx_v)

    for k in range(_B_PER_W // 16):
        v = idx_v[pl.ds(16 * k, 16)]
        q = jnp.where(
            v >= 3 * _G,
            v - 3 * _G,
            jnp.where(v >= 2 * _G, v - 2 * _G, jnp.where(v >= _G, v - _G, v)),
        )
        q_v[k // 8, pl.ds(16 * (k % 8), 16)] = q

    copies = [
        pltpu.async_copy(
            tab_hbm.at[q_v.at[j]], rows_v.at[pl.ds(_GCHUNK * j, _GCHUNK)], sem
        )
        for j in range(_NGATHER)
    ]
    for cp in copies:
        cp.wait()

    d_lo = lax.iota(jnp.int32, 16)
    d_hi = d_lo + 16

    def _chunk(k, carry):
        vidx = idx_v[pl.ds(16 * k, 16)]
        offv = jnp.where(
            vidx >= 3 * _G,
            96,
            jnp.where(vidx >= 2 * _G, 64, jnp.where(vidx >= _G, 32, 0)),
        )
        for t in range(16):
            b = 16 * k + t
            off = offv[t]
            x0 = rows_v[b, pl.ds(off, 16)]
            x1 = rows_v[b, pl.ds(off + 16, 16)]
            bvec = jnp.full((16,), b, jnp.int32)
            plsc.store_scatter(outt_v, [d_lo, bvec], x0)
            plsc.store_scatter(outt_v, [d_hi, bvec], x1)
        return carry

    lax.fori_loop(0, _B_PER_W // 16, _chunk, 0)

    pltpu.sync_copy(
        outt_v.at[:, pl.ds(0, _B_PER_W)], out_hbm.at[:, pl.ds(base, _B_PER_W)]
    )


def kernel(char_indices, table):
    idx = char_indices.astype(jnp.int32)
    tt = table.T
    tab = _retile(tt, tt, tt, tt)
    out_t = _embed_lookup(idx, tab)
    return out_t.T

# --- scband reference (transcript-rebuilt; emitter-appended) ---
"""Pipeline reference for scband-character-embedding-8323646619726 (READ-ONLY COPY).

The authoritative reference and input builder live on the scoring server;
editing this copy changes nothing except your own understanding.
"""

import jax, jax.numpy as jnp
import numpy as np

NUM_EMB = 100000
EMB_DIM = 32
BATCH = 16384

def setup_inputs(seed: int = 0) -> dict:
    key = jax.random.key(seed)
    k_idx, k_tab = jax.random.split(key)
    char_indices = jax.random.randint(k_idx, (BATCH,), 0, NUM_EMB, dtype=jnp.int64 if jax.config.jax_enable_x64 else jnp.int32)
    # nn.Embedding default init: N(0, 1)
    table = jax.random.normal(k_tab, (NUM_EMB, EMB_DIM), dtype=jnp.float32)
    return {"char_indices": char_indices, "table": table}

def reference(char_indices, table):
    return jnp.take(table, char_indices, axis=0)

if __name__ == "__main__":
    import jax
    _d = setup_inputs()
    print(jax.jit(kernel)(*tuple(_d.values())))

</pallas_src>

<mosaic_0001>
#map = affine_map<(d0, d1) -> (0)>
#map1 = affine_map<(d0, d1) -> (0, 0)>
module attributes {stable_mosaic.version = 14 : i64} {
  func.func @_embed_lookup(%arg0: i32, %arg1: i32, %arg2: memref<16384xi32, #tpu.memory_space<hbm>>, %arg3: memref<25088x128xf32, #tpu.memory_space<hbm>>, %arg4: memref<32x16384xf32, #tpu.memory_space<hbm>>, %arg5: memref<512xi32, #tpu.memory_space<vmem>>, %arg6: memref<4x128xi32, #tpu.memory_space<vmem>>, %arg7: memref<512x128xf32, #tpu.memory_space<vmem>>, %arg8: memref<32x513xf32, #tpu.memory_space<vmem>>, %arg9: memref<!tpu.dma_semaphore, #tpu.memory_space<semaphore_mem>>) attributes {dimension_semantics = [#tpu.dimension_semantics<core_parallel>, #tpu.dimension_semantics<subcore_parallel>], iteration_bounds = array<i64: 2, 16>, scalar_prefetch = 0 : i64, scratch_operands = 5 : i64, tpu.core_type = #tpu.core_type<sc_vector_subcore>, window_params = [{transform_indices = #map}, {transform_indices = #map1}, {transform_indices = #map1}]} {
    %mul3A = arith.constant 2 : i32
    %mul3A_0 = arith.muli %arg1, %mul3A : i32
    %add3A = arith.addi %mul3A_0, %arg0 : i32
    %mul3A_1 = arith.constant 512 : i32
    %mul3A_2 = arith.muli %add3A, %mul3A_1 : i32
    "tpu.region"() ({
      %run_scoped3A = tpu.sem_alloc : memref<!tpu.dma_semaphore, #tpu.memory_space<semaphore_mem>>
      %dma_start3A_948 = tpu.memref_slice %arg2[%mul3A_2] : memref<16384xi32, #tpu.memory_space<hbm>> -> memref<512xi32, #tpu.memory_space<hbm>>
      %dma_start3A_949 = tpu.memref_slice %arg2[%mul3A_2] : memref<16384xi32, #tpu.memory_space<hbm>> -> memref<512xi32, #tpu.memory_space<hbm>>
      tpu.enqueue_dma source(%dma_start3A_949 : memref<512xi32, #tpu.memory_space<hbm>>) target(%arg5 : memref<512xi32, #tpu.memory_space<vmem>>) target_semaphore(%run_scoped3A : memref<!tpu.dma_semaphore, #tpu.memory_space<semaphore_mem>>)
      %dma_wait3A_950 = tpu.memref_slice %arg2[%mul3A_2] : memref<16384xi32, #tpu.memory_space<hbm>> -> memref<512xi32, #tpu.memory_space<hbm>>
      %dma_wait3A_951 = tpu.memref_slice %arg2[%mul3A_2] : memref<16384xi32, #tpu.memory_space<hbm>> -> memref<512xi32, #tpu.memory_space<hbm>>
      tpu.wait_dma2 semaphore(%run_scoped3A : memref<!tpu.dma_semaphore, #tpu.memory_space<semaphore_mem>>) src(%dma_wait3A_951 : memref<512xi32, #tpu.memory_space<hbm>>) dst(%arg5 : memref<512xi32, #tpu.memory_space<vmem>>)
      tpu.yield
    }) : () -> ()
    %get3A = arith.constant 0 : index
    %get3A_3 = tpu.vector_load %arg5[%get3A] {strides = array<i32>} : memref<512xi32, #tpu.memory_space<vmem>>, vector<16xi32>,
    %ge3A = arith.constant 75264 : i32
    %ge3A_4 = vector.broadcast %ge3A : i32 to vector<16xi32>
    %ge3A_5 = arith.cmpi sge, %get3A_3, %ge3A_4 : vector<16xi32>
    %sub3A = arith.constant 75264 : i32
    %sub3A_6 = vector.broadcast %sub3A : i32 to vector<16xi32>
    %sub3A_7 = arith.subi %get3A_3, %sub3A_6 : vector<16xi32>
    %ge3A_8 = arith.constant 50176 : i32
    %ge3A_9 = vector.broadcast %ge3A_8 : i32 to vector<16xi32>
    %ge3A_10 = arith.cmpi sge, %get3A_3, %ge3A_9 : vector<16xi32>
    %sub3A_11 = arith.constant 50176 : i32
    %sub3A_12 = vector.broadcast %sub3A_11 : i32 to vector<16xi32>
    %sub3A_13 = arith.subi %get3A_3, %sub3A_12 : vector<16xi32>
    %ge3A_14 = arith.constant 25088 : i32
    %ge3A_15 = vector.broadcast %ge3A_14 : i32 to vector<16xi32>
    %ge3A_16 = arith.cmpi sge, %get3A_3, %ge3A_15 : vector<16xi32>
    %sub3A_17 = arith.constant 25088 : i32
    %sub3A_18 = vector.broadcast %sub3A_17 : i32 to vector<16xi32>
    %sub3A_19 = arith.subi %get3A_3, %sub3A_18 : vector<16xi32>
    %select_n3A = arith.select %ge3A_16, %sub3A_19, %get3A_3 : vector<16xi1>, vector<16xi32>
    %select_n3A_20 = arith.select %ge3A_10, %sub3A_13, %select_n3A : vector<16xi1>, vector<16xi32>
    %select_n3A_21 = arith.select %ge3A_5, %sub3A_7, %select_n3A_20 : vector<16xi1>, vector<16xi32>
    %swap3A = arith.constant 0 : i32
    %swap3A_22 = arith.index_cast %swap3A : i32 to index
    %swap3A_23 = arith.constant 0 : index
    %swap3A_24 = tpu.vector_load %arg6[%swap3A_22, %swap3A_23] {strides = array<i32>} : memref<4x128xi32, #tpu.memory_space<vmem>>, vector<16xi32>,
    tpu.vector_store %arg6[%swap3A_22, %swap3A_23], %select_n3A_21 {strides = array<i32>} : memref<4x128xi32, #tpu.memory_space<vmem>>, vector<16xi32>,
    %get3A_25 = arith.constant 16 : index
    %get3A_26 = tpu.vector_load %arg5[%get3A_25] {strides = array<i32>} : memref<512xi32, #tpu.memory_space<vmem>>, vector<16xi32>,
    %ge3A_27 = arith.constant 75264 : i32
    %ge3A_28 = vector.broadcast %ge3A_27 : i32 to vector<16xi32>
    %ge3A_29 = arith.cmpi sge, %get3A_26, %ge3A_28 : vector<16xi32>
    %sub3A_30 = arith.constant 75264 : i32
    %sub3A_31 = vector.broadcast %sub3A_30 : i32 to vector<16xi32>
    %sub3A_32 = arith.subi %get3A_26, %sub3A_31 : vector<16xi32>
    %ge3A_33 = arith.constant 50176 : i32
    %ge3A_34 = vector.broadcast %ge3A_33 : i32 to vector<16xi32>
    %ge3A_35 = arith.cmpi sge, %get3A_26, %ge3A_34 : vector<16xi32>
    %sub3A_36 = arith.constant 50176 : i32
    %sub3A_37 = vector.broadcast %sub3A_36 : i32 to vector<16xi32>
    %sub3A_38 = arith.subi %get3A_26, %sub3A_37 : vector<16xi32>
    %ge3A_39 = arith.constant 25088 : i32
    %ge3A_40 = vector.broadcast %ge3A_39 : i32 to vector<16xi32>
    %ge3A_41 = arith.cmpi sge, %get3A_26, %ge3A_40 : vector<16xi32>
    %sub3A_42 = arith.constant 25088 : i32
    %sub3A_43 = vector.broadcast %sub3A_42 : i32 to vector<16xi32>
    %sub3A_44 = arith.subi %get3A_26, %sub3A_43 : vector<16xi32>
    %select_n3A_45 = arith.select %ge3A_41, %sub3A_44, %get3A_26 : vector<16xi1>, vector<16xi32>
    %select_n3A_46 = arith.select %ge3A_35, %sub3A_38, %select_n3A_45 : vector<16xi1>, vector<16xi32>
    %select_n3A_47 = arith.select %ge3A_29, %sub3A_32, %select_n3A_46 : vector<16xi1>, vector<16xi32>
    %swap3A_48 = arith.constant 0 : i32
    %swap3A_49 = arith.index_cast %swap3A_48 : i32 to index
    %swap3A_50 = arith.constant 16 : index
    %swap3A_51 = tpu.vector_load %arg6[%swap3A_49, %swap3A_50] {strides = array<i32>} : memref<4x128xi32, #tpu.memory_space<vmem>>, vector<16xi32>,
    tpu.vector_store %arg6[%swap3A_49, %swap3A_50], %select_n3A_47 {strides = array<i32>} : memref<4x128xi32, #tpu.memory_space<vmem>>, vector<16xi32>,
    %get3A_52 = arith.constant 32 : index
    %get3A_53 = tpu.vector_load %arg5[%get3A_52] {strides = array<i32>} : memref<512xi32, #tpu.memory_space<vmem>>, vector<16xi32>,
    %ge3A_54 = arith.constant 75264 : i32
    %ge3A_55 = vector.broadcast %ge3A_54 : i32 to vector<16xi32>
    %ge3A_56 = arith.cmpi sge, %get3A_53, %ge3A_55 : vector<16xi32>
    %sub3A_57 = arith.constant 75264 : i32
    %sub3A_58 = vector.broadcast %sub3A_57 : i32 to vector<16xi32>
    %sub3A_59 = arith.subi %get3A_53, %sub3A_58 : vector<16xi32>
    %ge3A_60 = arith.constant 50176 : i32
    %ge3A_61 = vector.broadcast %ge3A_60 : i32 to vector<16xi32>
    %ge3A_62 = arith.cmpi sge, %get3A_53, %ge3A_61 : vector<16xi32>
    %sub3A_63 = arith.constant 50176 : i32
    %sub3A_64 = vector.broadcast %sub3A_63 : i32 to vector<16xi32>
    %sub3A_65 = arith.subi %get3A_53, %sub3A_64 : vector<16xi32>
    %ge3A_66 = arith.constant 25088 : i32
    %ge3A_67 = vector.broadcast %ge3A_66 : i32 to vector<16xi32>
    %ge3A_68 = arith.cmpi sge, %get3A_53, %ge3A_67 : vector<16xi32>
    %sub3A_69 = arith.constant 25088 : i32
    %sub3A_70 = vector.broadcast %sub3A_69 : i32 to vector<16xi32>
    %sub3A_71 = arith.subi %get3A_53, %sub3A_70 : vector<16xi32>
    %select_n3A_72 = arith.select %ge3A_68, %sub3A_71, %get3A_53 : vector<16xi1>, vector<16xi32>
    %select_n3A_73 = arith.select %ge3A_62, %sub3A_65, %select_n3A_72 : vector<16xi1>, vector<16xi32>
    %select_n3A_74 = arith.select %ge3A_56, %sub3A_59, %select_n3A_73 : vector<16xi1>, vector<16xi32>
    %swap3A_75 = arith.constant 0 : i32
    %swap3A_76 = arith.index_cast %swap3A_75 : i32 to index
    %swap3A_77 = arith.constant 32 : index
    %swap3A_78 = tpu.vector_load %arg6[%swap3A_76, %swap3A_77] {strides = array<i32>} : memref<4x128xi32, #tpu.memory_space<vmem>>, vector<16xi32>,
    tpu.vector_store %arg6[%swap3A_76, %swap3A_77], %select_n3A_74 {strides = array<i32>} : memref<4x128xi32, #tpu.memory_space<vmem>>, vector<16xi32>,
    %get3A_79 = arith.constant 48 : index
    %get3A_80 = tpu.vector_load %arg5[%get3A_79] {strides = array<i32>} : memref<512xi32, #tpu.memory_space<vmem>>, vector<16xi32>,
    %ge3A_81 = arith.constant 75264 : i32
    %ge3A_82 = vector.broadcast %ge3A_81 : i32 to vector<16xi32>
    %ge3A_83 = arith.cmpi sge, %get3A_80, %ge3A_82 : vector<16xi32>
    %sub3A_84 = arith.constant 75264 : i32
    %sub3A_85 = vector.broadcast %sub3A_84 : i32 to vector<16xi32>
    %sub3A_86 = arith.subi %get3A_80, %sub3A_85 : vector<16xi32>
    %ge3A_87 = arith.constant 50176 : i32
    %ge3A_88 = vector.broadcast %ge3A_87 : i32 to vector<16xi32>
    %ge3A_89 = arith.cmpi sge, %get3A_80, %ge3A_88 : vector<16xi32>
    %sub3A_90 = arith.constant 50176 : i32
    %sub3A_91 = vector.broadcast %sub3A_90 : i32 to vector<16xi32>
    %sub3A_92 = arith.subi %get3A_80, %sub3A_91 : vector<16xi32>
    %ge3A_93 = arith.constant 25088 : i32
    %ge3A_94 = vector.broadcast %ge3A_93 : i32 to vector<16xi32>
    %ge3A_95 = arith.cmpi sge, %get3A_80, %ge3A_94 : vector<16xi32>
    %sub3A_96 = arith.constant 25088 : i32
    %sub3A_97 = vector.broadcast %sub3A_96 : i32 to vector<16xi32>
    %sub3A_98 = arith.subi %get3A_80, %sub3A_97 : vector<16xi32>
    %select_n3A_99 = arith.select %ge3A_95, %sub3A_98, %get3A_80 : vector<16xi1>, vector<16xi32>
    %select_n3A_100 = arith.select %ge3A_89, %sub3A_92, %select_n3A_99 : vector<16xi1>, vector<16xi32>
    %select_n3A_101 = arith.select %ge3A_83, %sub3A_86, %select_n3A_100 : vector<16xi1>, vector<16xi32>
    %swap3A_102 = arith.constant 0 : i32
    %swap3A_103 = arith.index_cast %swap3A_102 : i32 to index
    %swap3A_104 = arith.constant 48 : index
    %swap3A_105 = tpu.vector_load %arg6[%swap3A_103, %swap3A_104] {strides = array<i32>} : memref<4x128xi32, #tpu.memory_space<vmem>>, vector<16xi32>,
    tpu.vector_store %arg6[%swap3A_103, %swap3A_104], %select_n3A_101 {strides = array<i32>} : memref<4x128xi32, #tpu.memory_space<vmem>>, vector<16xi32>,
    %get3A_106 = arith.constant 64 : index
    %get3A_107 = tpu.vector_load %arg5[%get3A_106] {strides = array<i32>} : memref<512xi32, #tpu.memory_space<vmem>>, vector<16xi32>,
    %ge3A_108 = arith.constant 75264 : i32
    %ge3A_109 = vector.broadcast %ge3A_108 : i32 to vector<16xi32>
    %ge3A_110 = arith.cmpi sge, %get3A_107, %ge3A_109 : vector<16xi32>
    %sub3A_111 = arith.constant 75264 : i32
    %sub3A_112 = vector.broadcast %sub3A_111 : i32 to vector<16xi32>
    %sub3A_113 = arith.subi %get3A_107, %sub3A_112 : vector<16xi32>
    %ge3A_114 = arith.constant 50176 : i32
    %ge3A_115 = vector.broadcast %ge3A_114 : i32 to vector<16xi32>
    %ge3A_116 = arith.cmpi sge, %get3A_107, %ge3A_115 : vector<16xi32>
    %sub3A_117 = arith.constant 50176 : i32
    %sub3A_118 = vector.broadcast %sub3A_117 : i32 to vector<16xi32>
    %sub3A_119 = arith.subi %get3A_107, %sub3A_118 : vector<16xi32>
    %ge3A_120 = arith.constant 25088 : i32
    %ge3A_121 = vector.broadcast %ge3A_120 : i32 to vector<16xi32>
    %ge3A_122 = arith.cmpi sge, %get3A_107, %ge3A_121 : vector<16xi32>
    %sub3A_123 = arith.constant 25088 : i32
    %sub3A_124 = vector.broadcast %sub3A_123 : i32 to vector<16xi32>
    %sub3A_125 = arith.subi %get3A_107, %sub3A_124 : vector<16xi32>
    %select_n3A_126 = arith.select %ge3A_122, %sub3A_125, %get3A_107 : vector<16xi1>, vector<16xi32>
    %select_n3A_127 = arith.select %ge3A_116, %sub3A_119, %select_n3A_126 : vector<16xi1>, vector<16xi32>
    %select_n3A_128 = arith.select %ge3A_110, %sub3A_113, %select_n3A_127 : vector<16xi1>, vector<16xi32>
    %swap3A_129 = arith.constant 0 : i32
    %swap3A_130 = arith.index_cast %swap3A_129 : i32 to index
    %swap3A_131 = arith.constant 64 : index
    %swap3A_132 = tpu.vector_load %arg6[%swap3A_130, %swap3A_131] {strides = array<i32>} : memref<4x128xi32, #tpu.memory_space<vmem>>, vector<16xi32>,
    tpu.vector_store %arg6[%swap3A_130, %swap3A_131], %select_n3A_128 {strides = array<i32>} : memref<4x128xi32, #tpu.memory_space<vmem>>, vector<16xi32>,
    %get3A_133 = arith.constant 80 : index
    %get3A_134 = tpu.vector_load %arg5[%get3A_133] {strides = array<i32>} : memref<512xi32, #tpu.memory_space<vmem>>, vector<16xi32>,
    %ge3A_135 = arith.constant 75264 : i32
    %ge3A_136 = vector.broadcast %ge3A_135 : i32 to vector<16xi32>
    %ge3A_137 = arith.cmpi sge, %get3A_134, %ge3A_136 : vector<16xi32>
    %sub3A_138 = arith.constant 75264 : i32
    %sub3A_139 = vector.broadcast %sub3A_138 : i32 to vector<16xi32>
    %sub3A_140 = arith.subi %get3A_134, %sub3A_139 : vector<16xi32>
    %ge3A_141 = arith.constant 50176 : i32
    %ge3A_142 = vector.broadcast %ge3A_141 : i32 to vector<16xi32>
    %ge3A_143 = arith.cmpi sge, %get3A_134, %ge3A_142 : vector<16xi32>
    %sub3A_144 = arith.constant 50176 : i32
    %sub3A_145 = vector.broadcast %sub3A_144 : i32 to vector<16xi32>
    %sub3A_146 = arith.subi %get3A_134, %sub3A_145 : vector<16xi32>
    %ge3A_147 = arith.constant 25088 : i32
    %ge3A_148 = vector.broadcast %ge3A_147 : i32 to vector<16xi32>
    %ge3A_149 = arith.cmpi sge, %get3A_134, %ge3A_148 : vector<16xi32>
    %sub3A_150 = arith.constant 25088 : i32
    %sub3A_151 = vector.broadcast %sub3A_150 : i32 to vector<16xi32>
    %sub3A_152 = arith.subi %get3A_134, %sub3A_151 : vector<16xi32>
    %select_n3A_153 = arith.select %ge3A_149, %sub3A_152, %get3A_134 : vector<16xi1>, vector<16xi32>
    %select_n3A_154 = arith.select %ge3A_143, %sub3A_146, %select_n3A_153 : vector<16xi1>, vector<16xi32>
    %select_n3A_155 = arith.select %ge3A_137, %sub3A_140, %select_n3A_154 : vector<16xi1>, vector<16xi32>
    %swap3A_156 = arith.constant 0 : i32
    %swap3A_157 = arith.index_cast %swap3A_156 : i32 to index
    %swap3A_158 = arith.constant 80 : index
    %swap3A_159 = tpu.vector_load %arg6[%swap3A_157, %swap3A_158] {strides = array<i32>} : memref<4x128xi32, #tpu.memory_space<vmem>>, vector<16xi32>,
    tpu.vector_store %arg6[%swap3A_157, %swap3A_158], %select_n3A_155 {strides = array<i32>} : memref<4x128xi32, #tpu.memory_space<vmem>>, vector<16xi32>,
    %get3A_160 = arith.constant 96 : index
    %get3A_161 = tpu.vector_load %arg5[%get3A_160] {strides = array<i32>} : memref<512xi32, #tpu.memory_space<vmem>>, vector<16xi32>,
    %ge3A_162 = arith.constant 75264 : i32
    %ge3A_163 = vector.broadcast %ge3A_162 : i32 to vector<16xi32>
    %ge3A_164 = arith.cmpi sge, %get3A_161, %ge3A_163 : vector<16xi32>
    %sub3A_165 = arith.constant 75264 : i32
    %sub3A_166 = vector.broadcast %sub3A_165 : i32 to vector<16xi32>
    %sub3A_167 = arith.subi %get3A_161, %sub3A_166 : vector<16xi32>
    %ge3A_168 = arith.constant 50176 : i32
    %ge3A_169 = vector.broadcast %ge3A_168 : i32 to vector<16xi32>
    %ge3A_170 = arith.cmpi sge, %get3A_161, %ge3A_169 : vector<16xi32>
    %sub3A_171 = arith.constant 50176 : i32
    %sub3A_172 = vector.broadcast %sub3A_171 : i32 to vector<16xi32>
    %sub3A_173 = arith.subi %get3A_161, %sub3A_172 : vector<16xi32>
    %ge3A_174 = arith.constant 25088 : i32
    %ge3A_175 = vector.broadcast %ge3A_174 : i32 to vector<16xi32>
    %ge3A_176 = arith.cmpi sge, %get3A_161, %ge3A_175 : vector<16xi32>
    %sub3A_177 = arith.constant 25088 : i32
    %sub3A_178 = vector.broadcast %sub3A_177 : i32 to vector<16xi32>
    %sub3A_179 = arith.subi %get3A_161, %sub3A_178 : vector<16xi32>
    %select_n3A_180 = arith.select %ge3A_176, %sub3A_179, %get3A_161 : vector<16xi1>, vector<16xi32>
    %select_n3A_181 = arith.select %ge3A_170, %sub3A_173, %select_n3A_180 : vector<16xi1>, vector<16xi32>
    %select_n3A_182 = arith.select %ge3A_164, %sub3A_167, %select_n3A_181 : vector<16xi1>, vector<16xi32>
    %swap3A_183 = arith.constant 0 : i32
    %swap3A_184 = arith.index_cast %swap3A_183 : i32 to index
    %swap3A_185 = arith.constant 96 : index
    %swap3A_186 = tpu.vector_load %arg6[%swap3A_184, %swap3A_185] {strides = array<i32>} : memref<4x128xi32, #tpu.memory_space<vmem>>, vector<16xi32>,
    tpu.vector_store %arg6[%swap3A_184, %swap3A_185], %select_n3A_182 {strides = array<i32>} : memref<4x128xi32, #tpu.memory_space<vmem>>, vector<16xi32>,
    %get3A_187 = arith.constant 112 : index
    %get3A_188 = tpu.vector_load %arg5[%get3A_187] {strides = array<i32>} : memref<512xi32, #tpu.memory_space<vmem>>, vector<16xi32>,
    %ge3A_189 = arith.constant 75264 : i32
    %ge3A_190 = vector.broadcast %ge3A_189 : i32 to vector<16xi32>
    %ge3A_191 = arith.cmpi sge, %get3A_188, %ge3A_190 : vector<16xi32>
    %sub3A_192 = arith.constant 75264 : i32
    %sub3A_193 = vector.broadcast %sub3A_192 : i32 to vector<16xi32>
    %sub3A_194 = arith.subi %get3A_188, %sub3A_193 : vector<16xi32>
    %ge3A_195 = arith.constant 50176 : i32
    %ge3A_196 = vector.broadcast %ge3A_195 : i32 to vector<16xi32>
    %ge3A_197 = arith.cmpi sge, %get3A_188, %ge3A_196 : vector<16xi32>
    %sub3A_198 = arith.constant 50176 : i32
    %sub3A_199 = vector.broadcast %sub3A_198 : i32 to vector<16xi32>
    %sub3A_200 = arith.subi %get3A_188, %sub3A_199 : vector<16xi32>
    %ge3A_201 = arith.constant 25088 : i32
    %ge3A_202 = vector.broadcast %ge3A_201 : i32 to vector<16xi32>
    %ge3A_203 = arith.cmpi sge, %get3A_188, %ge3A_202 : vector<16xi32>
    %sub3A_204 = arith.constant 25088 : i32
    %sub3A_205 = vector.broadcast %sub3A_204 : i32 to vector<16xi32>
    %sub3A_206 = arith.subi %get3A_188, %sub3A_205 : vector<16xi32>
    %select_n3A_207 = arith.select %ge3A_203, %sub3A_206, %get3A_188 : vector<16xi1>, vector<16xi32>
    %select_n3A_208 = arith.select %ge3A_197, %sub3A_200, %select_n3A_207 : vector<16xi1>, vector<16xi32>
    %select_n3A_209 = arith.select %ge3A_191, %sub3A_194, %select_n3A_208 : vector<16xi1>, vector<16xi32>
    %swap3A_210 = arith.constant 0 : i32
    %swap3A_211 = arith.index_cast %swap3A_210 : i32 to index
    %swap3A_212 = arith.constant 112 : index
    %swap3A_213 = tpu.vector_load %arg6[%swap3A_211, %swap3A_212] {strides = array<i32>} : memref<4x128xi32, #tpu.memory_space<vmem>>, vector<16xi32>,
    tpu.vector_store %arg6[%swap3A_211, %swap3A_212], %select_n3A_209 {strides = array<i32>} : memref<4x128xi32, #tpu.memory_space<vmem>>, vector<16xi32>,
    %get3A_214 = arith.constant 128 : index
    %get3A_215 = tpu.vector_load %arg5[%get3A_214] {strides = array<i32>} : memref<512xi32, #tpu.memory_space<vmem>>, vector<16xi32>,
    %ge3A_216 = arith.constant 75264 : i32
    %ge3A_217 = vector.broadcast %ge3A_216 : i32 to vector<16xi32>
    %ge3A_218 = arith.cmpi sge, %get3A_215, %ge3A_217 : vector<16xi32>
    %sub3A_219 = arith.constant 75264 : i32
    %sub3A_220 = vector.broadcast %sub3A_219 : i32 to vector<16xi32>
    %sub3A_221 = arith.subi %get3A_215, %sub3A_220 : vector<16xi32>
    %ge3A_222 = arith.constant 50176 : i32
    %ge3A_223 = vector.broadcast %ge3A_222 : i32 to vector<16xi32>
    %ge3A_224 = arith.cmpi sge, %get3A_215, %ge3A_223 : vector<16xi32>
    %sub3A_225 = arith.constant 50176 : i32
    %sub3A_226 = vector.broadcast %sub3A_225 : i32 to vector<16xi32>
    %sub3A_227 = arith.subi %get3A_215, %sub3A_226 : vector<16xi32>
    %ge3A_228 = arith.constant 25088 : i32
    %ge3A_229 = vector.broadcast %ge3A_228 : i32 to vector<16xi32>
    %ge3A_230 = arith.cmpi sge, %get3A_215, %ge3A_229 : vector<16xi32>
    %sub3A_231 = arith.constant 25088 : i32
    %sub3A_232 = vector.broadcast %sub3A_231 : i32 to vector<16xi32>
    %sub3A_233 = arith.subi %get3A_215, %sub3A_232 : vector<16xi32>
    %select_n3A_234 = arith.select %ge3A_230, %sub3A_233, %get3A_215 : vector<16xi1>, vector<16xi32>
    %select_n3A_235 = arith.select %ge3A_224, %sub3A_227, %select_n3A_234 : vector<16xi1>, vector<16xi32>
    %select_n3A_236 = arith.select %ge3A_218, %sub3A_221, %select_n3A_235 : vector<16xi1>, vector<16xi32>
    %swap3A_237 = arith.constant 1 : i32
    %swap3A_238 = arith.index_cast %swap3A_237 : i32 to index
    %swap3A_239 = arith.constant 0 : index
    %swap3A_240 = tpu.vector_load %arg6[%swap3A_238, %swap3A_239] {strides = array<i32>} : memref<4x128xi32, #tpu.memory_space<vmem>>, vector<16xi32>,
    tpu.vector_store %arg6[%swap3A_238, %swap3A_239], %select_n3A_236 {strides = array<i32>} : memref<4x128xi32, #tpu.memory_space<vmem>>, vector<16xi32>,
    %get3A_241 = arith.constant 144 : index
    %get3A_242 = tpu.vector_load %arg5[%get3A_241] {strides = array<i32>} : memref<512xi32, #tpu.memory_space<vmem>>, vector<16xi32>,
    %ge3A_243 = arith.constant 75264 : i32
    %ge3A_244 = vector.broadcast %ge3A_243 : i32 to vector<16xi32>
    %ge3A_245 = arith.cmpi sge, %get3A_242, %ge3A_244 : vector<16xi32>
    %sub3A_246 = arith.constant 75264 : i32
    %sub3A_247 = vector.broadcast %sub3A_246 : i32 to vector<16xi32>
    %sub3A_248 = arith.subi %get3A_242, %sub3A_247 : vector<16xi32>
    %ge3A_249 = arith.constant 50176 : i32
    %ge3A_250 = vector.broadcast %ge3A_249 : i32 to vector<16xi32>
    %ge3A_251 = arith.cmpi sge, %get3A_242, %ge3A_250 : vector<16xi32>
    %sub3A_252 = arith.constant 50176 : i32
    %sub3A_253 = vector.broadcast %sub3A_252 : i32 to vector<16xi32>
    %sub3A_254 = arith.subi %get3A_242, %sub3A_253 : vector<16xi32>
    %ge3A_255 = arith.constant 25088 : i32
    %ge3A_256 = vector.broadcast %ge3A_255 : i32 to vector<16xi32>
    %ge3A_257 = arith.cmpi sge, %get3A_242, %ge3A_256 : vector<16xi32>
    %sub3A_258 = arith.constant 25088 : i32
    %sub3A_259 = vector.broadcast %sub3A_258 : i32 to vector<16xi32>
    %sub3A_260 = arith.subi %get3A_242, %sub3A_259 : vector<16xi32>
    %select_n3A_261 = arith.select %ge3A_257, %sub3A_260, %get3A_242 : vector<16xi1>, vector<16xi32>
    %select_n3A_262 = arith.select %ge3A_251, %sub3A_254, %select_n3A_261 : vector<16xi1>, vector<16xi32>
    %select_n3A_263 = arith.select %ge3A_245, %sub3A_248, %select_n3A_262 : vector<16xi1>, vector<16xi32>
    %swap3A_264 = arith.constant 1 : i32
    %swap3A_265 = arith.index_cast %swap3A_264 : i32 to index
    %swap3A_266 = arith.constant 16 : index
    %swap3A_267 = tpu.vector_load %arg6[%swap3A_265, %swap3A_266] {strides = array<i32>} : memref<4x128xi32, #tpu.memory_space<vmem>>, vector<16xi32>,
    tpu.vector_store %arg6[%swap3A_265, %swap3A_266], %select_n3A_263 {strides = array<i32>} : memref<4x128xi32, #tpu.memory_space<vmem>>, vector<16xi32>,
    %get3A_268 = arith.constant 160 : index
    %get3A_269 = tpu.vector_load %arg5[%get3A_268] {strides = array<i32>} : memref<512xi32, #tpu.memory_space<vmem>>, vector<16xi32>,
    %ge3A_270 = arith.constant 75264 : i32
    %ge3A_271 = vector.broadcast %ge3A_270 : i32 to vector<16xi32>
    %ge3A_272 = arith.cmpi sge, %get3A_269, %ge3A_271 : vector<16xi32>
    %sub3A_273 = arith.constant 75264 : i32
    %sub3A_274 = vector.broadcast %sub3A_273 : i32 to vector<16xi32>
    %sub3A_275 = arith.subi %get3A_269, %sub3A_274 : vector<16xi32>
    %ge3A_276 = arith.constant 50176 : i32
    %ge3A_277 = vector.broadcast %ge3A_276 : i32 to vector<16xi32>
    %ge3A_278 = arith.cmpi sge, %get3A_269, %ge3A_277 : vector<16xi32>
    %sub3A_279 = arith.constant 50176 : i32
    %sub3A_280 = vector.broadcast %sub3A_279 : i32 to vector<16xi32>
    %sub3A_281 = arith.subi %get3A_269, %sub3A_280 : vector<16xi32>
    %ge3A_282 = arith.constant 25088 : i32
    %ge3A_283 = vector.broadcast %ge3A_282 : i32 to vector<16xi32>
    %ge3A_284 = arith.cmpi sge, %get3A_269, %ge3A_283 : vector<16xi32>
    %sub3A_285 = arith.constant 25088 : i32
    %sub3A_286 = vector.broadcast %sub3A_285 : i32 to vector<16xi32>
    %sub3A_287 = arith.subi %get3A_269, %sub3A_286 : vector<16xi32>
    %select_n3A_288 = arith.select %ge3A_284, %sub3A_287, %get3A_269 : vector<16xi1>, vector<16xi32>
    %select_n3A_289 = arith.select %ge3A_278, %sub3A_281, %select_n3A_288 : vector<16xi1>, vector<16xi32>
    %select_n3A_290 = arith.select %ge3A_272, %sub3A_275, %select_n3A_289 : vector<16xi1>, vector<16xi32>
    %swap3A_291 = arith.constant 1 : i32
    %swap3A_292 = arith.index_cast %swap3A_291 : i32 to index
    %swap3A_293 = arith.constant 32 : index
    %swap3A_294 = tpu.vector_load %arg6[%swap3A_292, %swap3A_293] {strides = array<i32>} : memref<4x128xi32, #tpu.memory_space<vmem>>, vector<16xi32>,
    tpu.vector_store %arg6[%swap3A_292, %swap3A_293], %select_n3A_290 {strides = array<i32>} : memref<4x128xi32, #tpu.memory_space<vmem>>, vector<16xi32>,
    %get3A_295 = arith.constant 176 : index
    %get3A_296 = tpu.vector_load %arg5[%get3A_295] {strides = array<i32>} : memref<512xi32, #tpu.memory_space<vmem>>, vector<16xi32>,
    %ge3A_297 = arith.constant 75264 : i32
    %ge3A_298 = vector.broadcast %ge3A_297 : i32 to vector<16xi32>
    %ge3A_299 = arith.cmpi sge, %get3A_296, %ge3A_298 : vector<16xi32>
    %sub3A_300 = arith.constant 75264 : i32
    %sub3A_301 = vector.broadcast %sub3A_300 : i32 to vector<16xi32>
    %sub3A_302 = arith.subi %get3A_296, %sub3A_301 : vector<16xi32>
    %ge3A_303 = arith.constant 50176 : i32
    %ge3A_304 = vector.broadcast %ge3A_303 : i32 to vector<16xi32>
    %ge3A_305 = arith.cmpi sge, %get3A_296, %ge3A_304 : vector<16xi32>
    %sub3A_306 = arith.constant 50176 : i32
    %sub3A_307 = vector.broadcast %sub3A_306 : i32 to vector<16xi32>
    %sub3A_308 = arith.subi %get3A_296, %sub3A_307 : vector<16xi32>
    %ge3A_309 = arith.constant 25088 : i32
    %ge3A_310 = vector.broadcast %ge3A_309 : i32 to vector<16xi32>
    %ge3A_311 = arith.cmpi sge, %get3A_296, %ge3A_310 : vector<16xi32>
    %sub3A_312 = arith.constant 25088 : i32
    %sub3A_313 = vector.broadcast %sub3A_312 : i32 to vector<16xi32>
    %sub3A_314 = arith.subi %get3A_296, %sub3A_313 : vector<16xi32>
    %select_n3A_315 = arith.select %ge3A_311, %sub3A_314, %get3A_296 : vector<16xi1>, vector<16xi32>
    %select_n3A_316 = arith.select %ge3A_305, %sub3A_308, %select_n3A_315 : vector<16xi1>, vector<16xi32>
    %select_n3A_317 = arith.select %ge3A_299, %sub3A_302, %select_n3A_316 : vector<16xi1>, vector<16xi32>
    %swap3A_318 = arith.constant 1 : i32
    %swap3A_319 = arith.index_cast %swap3A_318 : i32 to index
    %swap3A_320 = arith.constant 48 : index
    %swap3A_321 = tpu.vector_load %arg6[%swap3A_319, %swap3A_320] {strides = array<i32>} : memref<4x128xi32, #tpu.memory_space<vmem>>, vector<16xi32>,
    tpu.vector_store %arg6[%swap3A_319, %swap3A_320], %select_n3A_317 {strides = array<i32>} : memref<4x128xi32, #tpu.memory_space<vmem>>, vector<16xi32>,
    %get3A_322 = arith.constant 192 : index
    %get3A_323 = tpu.vector_load %arg5[%get3A_322] {strides = array<i32>} : memref<512xi32, #tpu.memory_space<vmem>>, vector<16xi32>,
    %ge3A_324 = arith.constant 75264 : i32
    %ge3A_325 = vector.broadcast %ge3A_324 : i32 to vector<16xi32>
    %ge3A_326 = arith.cmpi sge, %get3A_323, %ge3A_325 : vector<16xi32>
    %sub3A_327 = arith.constant 75264 : i32
    %sub3A_328 = vector.broadcast %sub3A_327 : i32 to vector<16xi32>
    %sub3A_329 = arith.subi %get3A_323, %sub3A_328 : vector<16xi32>
    %ge3A_330 = arith.constant 50176 : i32
    %ge3A_331 = vector.broadcast %ge3A_330 : i32 to vector<16xi32>
    %ge3A_332 = arith.cmpi sge, %get3A_323, %ge3A_331 : vector<16xi32>
    %sub3A_333 = arith.constant 50176 : i32
    %sub3A_334 = vector.broadcast %sub3A_333 : i32 to vector<16xi32>
    %sub3A_335 = arith.subi %get3A_323, %sub3A_334 : vector<16xi32>
    %ge3A_336 = arith.constant 25088 : i32
    %ge3A_337 = vector.broadcast %ge3A_336 : i32 to vector<16xi32>
    %ge3A_338 = arith.cmpi sge, %get3A_323, %ge3A_337 : vector<16xi32>
    %sub3A_339 = arith.constant 25088 : i32
    %sub3A_340 = vector.broadcast %sub3A_339 : i32 to vector<16xi32>
    %sub3A_341 = arith.subi %get3A_323, %sub3A_340 : vector<16xi32>
    %select_n3A_342 = arith.select %ge3A_338, %sub3A_341, %get3A_323 : vector<16xi1>, vector<16xi32>
    %select_n3A_343 = arith.select %ge3A_332, %sub3A_335, %select_n3A_342 : vector<16xi1>, vector<16xi32>
    %select_n3A_344 = arith.select %ge3A_326, %sub3A_329, %select_n3A_343 : vector<16xi1>, vector<16xi32>
    %swap3A_345 = arith.constant 1 : i32
    %swap3A_346 = arith.index_cast %swap3A_345 : i32 to index
    %swap3A_347 = arith.constant 64 : index
    %swap3A_348 = tpu.vector_load %arg6[%swap3A_346, %swap3A_347] {strides = array<i32>} : memref<4x128xi32, #tpu.memory_space<vmem>>, vector<16xi32>,
    tpu.vector_store %arg6[%swap3A_346, %swap3A_347], %select_n3A_344 {strides = array<i32>} : memref<4x128xi32, #tpu.memory_space<vmem>>, vector<16xi32>,
    %get3A_349 = arith.constant 208 : index
    %get3A_350 = tpu.vector_load %arg5[%get3A_349] {strides = array<i32>} : memref<512xi32, #tpu.memory_space<vmem>>, vector<16xi32>,
    %ge3A_351 = arith.constant 75264 : i32
    %ge3A_352 = vector.broadcast %ge3A_351 : i32 to vector<16xi32>
    %ge3A_353 = arith.cmpi sge, %get3A_350, %ge3A_352 : vector<16xi32>
    %sub3A_354 = arith.constant 75264 : i32
    %sub3A_355 = vector.broadcast %sub3A_354 : i32 to vector<16xi32>
    %sub3A_356 = arith.subi %get3A_350, %sub3A_355 : vector<16xi32>
    %ge3A_357 = arith.constant 50176 : i32
    %ge3A_358 = vector.broadcast %ge3A_357 : i32 to vector<16xi32>
    %ge3A_359 = arith.cmpi sge, %get3A_350, %ge3A_358 : vector<16xi32>
    %sub3A_360 = arith.constant 50176 : i32
    %sub3A_361 = vector.broadcast %sub3A_360 : i32 to vector<16xi32>
    %sub3A_362 = arith.subi %get3A_350, %sub3A_361 : vector<16xi32>
    %ge3A_363 = arith.constant 25088 : i32
    %ge3A_364 = vector.broadcast %ge3A_363 : i32 to vector<16xi32>
    %ge3A_365 = arith.cmpi sge, %get3A_350, %ge3A_364 : vector<16xi32>
    %sub3A_366 = arith.constant 25088 : i32
    %sub3A_367 = vector.broadcast %sub3A_366 : i32 to vector<16xi32>
    %sub3A_368 = arith.subi %get3A_350, %sub3A_367 : vector<16xi32>
    %select_n3A_369 = arith.select %ge3A_365, %sub3A_368, %get3A_350 : vector<16xi1>, vector<16xi32>
    %select_n3A_370 = arith.select %ge3A_359, %sub3A_362, %select_n3A_369 : vector<16xi1>, vector<16xi32>
    %select_n3A_371 = arith.select %ge3A_353, %sub3A_356, %select_n3A_370 : vector<16xi1>, vector<16xi32>
    %swap3A_372 = arith.constant 1 : i32
    %swap3A_373 = arith.index_cast %swap3A_372 : i32 to index
    %swap3A_374 = arith.constant 80 : index
    %swap3A_375 = tpu.vector_load %arg6[%swap3A_373, %swap3A_374] {strides = array<i32>} : memref<4x128xi32, #tpu.memory_space<vmem>>, vector<16xi32>,
    tpu.vector_store %arg6[%swap3A_373, %swap3A_374], %select_n3A_371 {strides = array<i32>} : memref<4x128xi32, #tpu.memory_space<vmem>>, vector<16xi32>,
    %get3A_376 = arith.constant 224 : index
    %get3A_377 = tpu.vector_load %arg5[%get3A_376] {strides = array<i32>} : memref<512xi32, #tpu.memory_space<vmem>>, vector<16xi32>,
    %ge3A_378 = arith.constant 75264 : i32
    %ge3A_379 = vector.broadcast %ge3A_378 : i32 to vector<16xi32>
    %ge3A_380 = arith.cmpi sge, %get3A_377, %ge3A_379 : vector<16xi32>
    %sub3A_381 = arith.constant 75264 : i32
    %sub3A_382 = vector.broadcast %sub3A_381 : i32 to vector<16xi32>
    %sub3A_383 = arith.subi %get3A_377, %sub3A_382 : vector<16xi32>
    %ge3A_384 = arith.constant 50176 : i32
    %ge3A_385 = vector.broadcast %ge3A_384 : i32 to vector<16xi32>
    %ge3A_386 = arith.cmpi sge, %get3A_377, %ge3A_385 : vector<16xi32>
    %sub3A_387 = arith.constant 50176 : i32
    %sub3A_388 = vector.broadcast %sub3A_387 : i32 to vector<16xi32>
    %sub3A_389 = arith.subi %get3A_377, %sub3A_388 : vector<16xi32>
    %ge3A_390 = arith.constant 25088 : i32
    %ge3A_391 = vector.broadcast %ge3A_390 : i32 to vector<16xi32>
    %ge3A_392 = arith.cmpi sge, %get3A_377, %ge3A_391 : vector<16xi32>
    %sub3A_393 = arith.constant 25088 : i32
    %sub3A_394 = vector.broadcast %sub3A_393 : i32 to vector<16xi32>
    %sub3A_395 = arith.subi %get3A_377, %sub3A_394 : vector<16xi32>
    %select_n3A_396 = arith.select %ge3A_392, %sub3A_395, %get3A_377 : vector<16xi1>, vector<16xi32>
    %select_n3A_397 = arith.select %ge3A_386, %sub3A_389, %select_n3A_396 : vector<16xi1>, vector<16xi32>
    %select_n3A_398 = arith.select %ge3A_380, %sub3A_383, %select_n3A_397 : vector<16xi1>, vector<16xi32>
    %swap3A_399 = arith.constant 1 : i32
    %swap3A_400 = arith.index_cast %swap3A_399 : i32 to index
    %swap3A_401 = arith.constant 96 : index
    %swap3A_402 = tpu.vector_load %arg6[%swap3A_400, %swap3A_401] {strides = array<i32>} : memref<4x128xi32, #tpu.memory_space<vmem>>, vector<16xi32>,
    tpu.vector_store %arg6[%swap3A_400, %swap3A_401], %select_n3A_398 {strides = array<i32>} : memref<4x128xi32, #tpu.memory_space<vmem>>, vector<16xi32>,
    %get3A_403 = arith.constant 240 : index
    %get3A_404 = tpu.vector_load %arg5[%get3A_403] {strides = array<i32>} : memref<512xi32, #tpu.memory_space<vmem>>, vector<16xi32>,
    %ge3A_405 = arith.constant 75264 : i32
    %ge3A_406 = vector.broadcast %ge3A_405 : i32 to vector<16xi32>
    %ge3A_407 = arith.cmpi sge, %get3A_404, %ge3A_406 : vector<16xi32>
    %sub3A_408 = arith.constant 75264 : i32
    %sub3A_409 = vector.broadcast %sub3A_408 : i32 to vector<16xi32>
    %sub3A_410 = arith.subi %get3A_404, %sub3A_409 : vector<16xi32>
    %ge3A_411 = arith.constant 50176 : i32
    %ge3A_412 = vector.broadcast %ge3A_411 : i32 to vector<16xi32>
    %ge3A_413 = arith.cmpi sge, %get3A_404, %ge3A_412 : vector<16xi32>
    %sub3A_414 = arith.constant 50176 : i32
    %sub3A_415 = vector.broadcast %sub3A_414 : i32 to vector<16xi32>
    %sub3A_416 = arith.subi %get3A_404, %sub3A_415 : vector<16xi32>
    %ge3A_417 = arith.constant 25088 : i32
    %ge3A_418 = vector.broadcast %ge3A_417 : i32 to vector<16xi32>
    %ge3A_419 = arith.cmpi sge, %get3A_404, %ge3A_418 : vector<16xi32>
    %sub3A_420 = arith.constant 25088 : i32
    %sub3A_421 = vector.broadcast %sub3A_420 : i32 to vector<16xi32>
    %sub3A_422 = arith.subi %get3A_404, %sub3A_421 : vector<16xi32>
    %select_n3A_423 = arith.select %ge3A_419, %sub3A_422, %get3A_404 : vector<16xi1>, vector<16xi32>
    %select_n3A_424 = arith.select %ge3A_413, %sub3A_416, %select_n3A_423 : vector<16xi1>, vector<16xi32>
    %select_n3A_425 = arith.select %ge3A_407, %sub3A_410, %select_n3A_424 : vector<16xi1>, vector<16xi32>
    %swap3A_426 = arith.constant 1 : i32
    %swap3A_427 = arith.index_cast %swap3A_426 : i32 to index
    %swap3A_428 = arith.constant 112 : index
    %swap3A_429 = tpu.vector_load %arg6[%swap3A_427, %swap3A_428] {strides = array<i32>} : memref<4x128xi32, #tpu.memory_space<vmem>>, vector<16xi32>,
    tpu.vector_store %arg6[%swap3A_427, %swap3A_428], %select_n3A_425 {strides = array<i32>} : memref<4x128xi32, #tpu.memory_space<vmem>>, vector<16xi32>,
    %get3A_430 = arith.constant 256 : index
    %get3A_431 = tpu.vector_load %arg5[%get3A_430] {strides = array<i32>} : memref<512xi32, #tpu.memory_space<vmem>>, vector<16xi32>,
    %ge3A_432 = arith.constant 75264 : i32
    %ge3A_433 = vector.broadcast %ge3A_432 : i32 to vector<16xi32>
    %ge3A_434 = arith.cmpi sge, %get3A_431, %ge3A_433 : vector<16xi32>
    %sub3A_435 = arith.constant 75264 : i32
    %sub3A_436 = vector.broadcast %sub3A_435 : i32 to vector<16xi32>
    %sub3A_437 = arith.subi %get3A_431, %sub3A_436 : vector<16xi32>
    %ge3A_438 = arith.constant 50176 : i32
    %ge3A_439 = vector.broadcast %ge3A_438 : i32 to vector<16xi32>
    %ge3A_440 = arith.cmpi sge, %get3A_431, %ge3A_439 : vector<16xi32>
    %sub3A_441 = arith.constant 50176 : i32
    %sub3A_442 = vector.broadcast %sub3A_441 : i32 to vector<16xi32>
    %sub3A_443 = arith.subi %get3A_431, %sub3A_442 : vector<16xi32>
    %ge3A_444 = arith.constant 25088 : i32
    %ge3A_445 = vector.broadcast %ge3A_444 : i32 to vector<16xi32>
    %ge3A_446 = arith.cmpi sge, %get3A_431, %ge3A_445 : vector<16xi32>
    %sub3A_447 = arith.constant 25088 : i32
    %sub3A_448 = vector.broadcast %sub3A_447 : i32 to vector<16xi32>
    %sub3A_449 = arith.subi %get3A_431, %sub3A_448 : vector<16xi32>
    %select_n3A_450 = arith.select %ge3A_446, %sub3A_449, %get3A_431 : vector<16xi1>, vector<16xi32>
    %select_n3A_451 = arith.select %ge3A_440, %sub3A_443, %select_n3A_450 : vector<16xi1>, vector<16xi32>
    %select_n3A_452 = arith.select %ge3A_434, %sub3A_437, %select_n3A_451 : vector<16xi1>, vector<16xi32>
    %swap3A_453 = arith.constant 2 : i32
    %swap3A_454 = arith.index_cast %swap3A_453 : i32 to index
    %swap3A_455 = arith.constant 0 : index
    %swap3A_456 = tpu.vector_load %arg6[%swap3A_454, %swap3A_455] {strides = array<i32>} : memref<4x128xi32, #tpu.memory_space<vmem>>, vector<16xi32>,
    tpu.vector_store %arg6[%swap3A_454, %swap3A_455], %select_n3A_452 {strides = array<i32>} : memref<4x128xi32, #tpu.memory_space<vmem>>, vector<16xi32>,
    %get3A_457 = arith.constant 272 : index
    %get3A_458 = tpu.vector_load %arg5[%get3A_457] {strides = array<i32>} : memref<512xi32, #tpu.memory_space<vmem>>, vector<16xi32>,
    %ge3A_459 = arith.constant 75264 : i32
    %ge3A_460 = vector.broadcast %ge3A_459 : i32 to vector<16xi32>
    %ge3A_461 = arith.cmpi sge, %get3A_458, %ge3A_460 : vector<16xi32>
    %sub3A_462 = arith.constant 75264 : i32
    %sub3A_463 = vector.broadcast %sub3A_462 : i32 to vector<16xi32>
    %sub3A_464 = arith.subi %get3A_458, %sub3A_463 : vector<16xi32>
    %ge3A_465 = arith.constant 50176 : i32
    %ge3A_466 = vector.broadcast %ge3A_465 : i32 to vector<16xi32>
    %ge3A_467 = arith.cmpi sge, %get3A_458, %ge3A_466 : vector<16xi32>
    %sub3A_468 = arith.constant 50176 : i32
    %sub3A_469 = vector.broadcast %sub3A_468 : i32 to vector<16xi32>
    %sub3A_470 = arith.subi %get3A_458, %sub3A_469 : vector<16xi32>
    %ge3A_471 = arith.constant 25088 : i32
    %ge3A_472 = vector.broadcast %ge3A_471 : i32 to vector<16xi32>
    %ge3A_473 = arith.cmpi sge, %get3A_458, %ge3A_472 : vector<16xi32>
    %sub3A_474 = arith.constant 25088 : i32
    %sub3A_475 = vector.broadcast %sub3A_474 : i32 to vector<16xi32>
    %sub3A_476 = arith.subi %get3A_458, %sub3A_475 : vector<16xi32>
    %select_n3A_477 = arith.select %ge3A_473, %sub3A_476, %get3A_458 : vector<16xi1>, vector<16xi32>
    %select_n3A_478 = arith.select %ge3A_467, %sub3A_470, %select_n3A_477 : vector<16xi1>, vector<16xi32>
    %select_n3A_479 = arith.select %ge3A_461, %sub3A_464, %select_n3A_478 : vector<16xi1>, vector<16xi32>
    %swap3A_480 = arith.constant 2 : i32
    %swap3A_481 = arith.index_cast %swap3A_480 : i32 to index
    %swap3A_482 = arith.constant 16 : index
    %swap3A_483 = tpu.vector_load %arg6[%swap3A_481, %swap3A_482] {strides = array<i32>} : memref<4x128xi32, #tpu.memory_space<vmem>>, vector<16xi32>,
    tpu.vector_store %arg6[%swap3A_481, %swap3A_482], %select_n3A_479 {strides = array<i32>} : memref<4x128xi32, #tpu.memory_space<vmem>>, vector<16xi32>,
    %get3A_484 = arith.constant 288 : index
    %get3A_485 = tpu.vector_load %arg5[%get3A_484] {strides = array<i32>} : memref<512xi32, #tpu.memory_space<vmem>>, vector<16xi32>,
    %ge3A_486 = arith.constant 75264 : i32
    %ge3A_487 = vector.broadcast %ge3A_486 : i32 to vector<16xi32>
    %ge3A_488 = arith.cmpi sge, %get3A_485, %ge3A_487 : vector<16xi32>
    %sub3A_489 = arith.constant 75264 : i32
    %sub3A_490 = vector.broadcast %sub3A_489 : i32 to vector<16xi32>
    %sub3A_491 = arith.subi %get3A_485, %sub3A_490 : vector<16xi32>
    %ge3A_492 = arith.constant 50176 : i32
    %ge3A_493 = vector.broadcast %ge3A_492 : i32 to vector<16xi32>
    %ge3A_494 = arith.cmpi sge, %get3A_485, %ge3A_493 : vector<16xi32>
    %sub3A_495 = arith.constant 50176 : i32
    %sub3A_496 = vector.broadcast %sub3A_495 : i32 to vector<16xi32>
    %sub3A_497 = arith.subi %get3A_485, %sub3A_496 : vector<16xi32>
    %ge3A_498 = arith.constant 25088 : i32
    %ge3A_499 = vector.broadcast %ge3A_498 : i32 to vector<16xi32>
    %ge3A_500 = arith.cmpi sge, %get3A_485, %ge3A_499 : vector<16xi32>
    %sub3A_501 = arith.constant 25088 : i32
    %sub3A_502 = vector.broadcast %sub3A_501 : i32 to vector<16xi32>
    %sub3A_503 = arith.subi %get3A_485, %sub3A_502 : vector<16xi32>
    %select_n3A_504 = arith.select %ge3A_500, %sub3A_503, %get3A_485 : vector<16xi1>, vector<16xi32>
    %select_n3A_505 = arith.select %ge3A_494, %sub3A_497, %select_n3A_504 : vector<16xi1>, vector<16xi32>
    %select_n3A_506 = arith.select %ge3A_488, %sub3A_491, %select_n3A_505 : vector<16xi1>, vector<16xi32>
    %swap3A_507 = arith.constant 2 : i32
    %swap3A_508 = arith.index_cast %swap3A_507 : i32 to index
    %swap3A_509 = arith.constant 32 : index
    %swap3A_510 = tpu.vector_load %arg6[%swap3A_508, %swap3A_509] {strides = array<i32>} : memref<4x128xi32, #tpu.memory_space<vmem>>, vector<16xi32>,
    tpu.vector_store %arg6[%swap3A_508, %swap3A_509], %select_n3A_506 {strides = array<i32>} : memref<4x128xi32, #tpu.memory_space<vmem>>, vector<16xi32>,
    %get3A_511 = arith.constant 304 : index
    %get3A_512 = tpu.vector_load %arg5[%get3A_511] {strides = array<i32>} : memref<512xi32, #tpu.memory_space<vmem>>, vector<16xi32>,
    %ge3A_513 = arith.constant 75264 : i32
    %ge3A_514 = vector.broadcast %ge3A_513 : i32 to vector<16xi32>
    %ge3A_515 = arith.cmpi sge, %get3A_512, %ge3A_514 : vector<16xi32>
    %sub3A_516 = arith.constant 75264 : i32
    %sub3A_517 = vector.broadcast %sub3A_516 : i32 to vector<16xi32>
    %sub3A_518 = arith.subi %get3A_512, %sub3A_517 : vector<16xi32>
    %ge3A_519 = arith.constant 50176 : i32
    %ge3A_520 = vector.broadcast %ge3A_519 : i32 to vector<16xi32>
    %ge3A_521 = arith.cmpi sge, %get3A_512, %ge3A_520 : vector<16xi32>
    %sub3A_522 = arith.constant 50176 : i32
    %sub3A_523 = vector.broadcast %sub3A_522 : i32 to vector<16xi32>
    %sub3A_524 = arith.subi %get3A_512, %sub3A_523 : vector<16xi32>
    %ge3A_525 = arith.constant 25088 : i32
    %ge3A_526 = vector.broadcast %ge3A_525 : i32 to vector<16xi32>
    %ge3A_527 = arith.cmpi sge, %get3A_512, %ge3A_526 : vector<16xi32>
    %sub3A_528 = arith.constant 25088 : i32
    %sub3A_529 = vector.broadcast %sub3A_528 : i32 to vector<16xi32>
    %sub3A_530 = arith.subi %get3A_512, %sub3A_529 : vector<16xi32>
    %select_n3A_531 = arith.select %ge3A_527, %sub3A_530, %get3A_512 : vector<16xi1>, vector<16xi32>
    %select_n3A_532 = arith.select %ge3A_521, %sub3A_524, %select_n3A_531 : vector<16xi1>, vector<16xi32>
    %select_n3A_533 = arith.select %ge3A_515, %sub3A_518, %select_n3A_532 : vector<16xi1>, vector<16xi32>
    %swap3A_534 = arith.constant 2 : i32
    %swap3A_535 = arith.index_cast %swap3A_534 : i32 to index
    %swap3A_536 = arith.constant 48 : index
    %swap3A_537 = tpu.vector_load %arg6[%swap3A_535, %swap3A_536] {strides = array<i32>} : memref<4x128xi32, #tpu.memory_space<vmem>>, vector<16xi32>,
    tpu.vector_store %arg6[%swap3A_535, %swap3A_536], %select_n3A_533 {strides = array<i32>} : memref<4x128xi32, #tpu.memory_space<vmem>>, vector<16xi32>,
    %get3A_538 = arith.constant 320 : index
    %get3A_539 = tpu.vector_load %arg5[%get3A_538] {strides = array<i32>} : memref<512xi32, #tpu.memory_space<vmem>>, vector<16xi32>,
    %ge3A_540 = arith.constant 75264 : i32
    %ge3A_541 = vector.broadcast %ge3A_540 : i32 to vector<16xi32>
    %ge3A_542 = arith.cmpi sge, %get3A_539, %ge3A_541 : vector<16xi32>
    %sub3A_543 = arith.constant 75264 : i32
    %sub3A_544 = vector.broadcast %sub3A_543 : i32 to vector<16xi32>
    %sub3A_545 = arith.subi %get3A_539, %sub3A_544 : vector<16xi32>
    %ge3A_546 = arith.constant 50176 : i32
    %ge3A_547 = vector.broadcast %ge3A_546 : i32 to vector<16xi32>
    %ge3A_548 = arith.cmpi sge, %get3A_539, %ge3A_547 : vector<16xi32>
    %sub3A_549 = arith.constant 50176 : i32
    %sub3A_550 = vector.broadcast %sub3A_549 : i32 to vector<16xi32>
    %sub3A_551 = arith.subi %get3A_539, %sub3A_550 : vector<16xi32>
    %ge3A_552 = arith.constant 25088 : i32
    %ge3A_553 = vector.broadcast %ge3A_552 : i32 to vector<16xi32>
    %ge3A_554 = arith.cmpi sge, %get3A_539, %ge3A_553 : vector<16xi32>
    %sub3A_555 = arith.constant 25088 : i32
    %sub3A_556 = vector.broadcast %sub3A_555 : i32 to vector<16xi32>
    %sub3A_557 = arith.subi %get3A_539, %sub3A_556 : vector<16xi32>
    %select_n3A_558 = arith.select %ge3A_554, %sub3A_557, %get3A_539 : vector<16xi1>, vector<16xi32>
    %select_n3A_559 = arith.select %ge3A_548, %sub3A_551, %select_n3A_558 : vector<16xi1>, vector<16xi32>
    %select_n3A_560 = arith.select %ge3A_542, %sub3A_545, %select_n3A_559 : vector<16xi1>, vector<16xi32>
    %swap3A_561 = arith.constant 2 : i32
    %swap3A_562 = arith.index_cast %swap3A_561 : i32 to index
    %swap3A_563 = arith.constant 64 : index
    %swap3A_564 = tpu.vector_load %arg6[%swap3A_562, %swap3A_563] {strides = array<i32>} : memref<4x128xi32, #tpu.memory_space<vmem>>, vector<16xi32>,
    tpu.vector_store %arg6[%swap3A_562, %swap3A_563], %select_n3A_560 {strides = array<i32>} : memref<4x128xi32, #tpu.memory_space<vmem>>, vector<16xi32>,
    %get3A_565 = arith.constant 336 : index
    %get3A_566 = tpu.vector_load %arg5[%get3A_565] {strides = array<i32>} : memref<512xi32, #tpu.memory_space<vmem>>, vector<16xi32>,
    %ge3A_567 = arith.constant 75264 : i32
    %ge3A_568 = vector.broadcast %ge3A_567 : i32 to vector<16xi32>
    %ge3A_569 = arith.cmpi sge, %get3A_566, %ge3A_568 : vector<16xi32>
    %sub3A_570 = arith.constant 75264 : i32
    %sub3A_571 = vector.broadcast %sub3A_570 : i32 to vector<16xi32>
    %sub3A_572 = arith.subi %get3A_566, %sub3A_571 : vector<16xi32>
    %ge3A_573 = arith.constant 50176 : i32
    %ge3A_574 = vector.broadcast %ge3A_573 : i32 to vector<16xi32>
    %ge3A_575 = arith.cmpi sge, %get3A_566, %ge3A_574 : vector<16xi32>
    %sub3A_576 = arith.constant 50176 : i32
    %sub3A_577 = vector.broadcast %sub3A_576 : i32 to vector<16xi32>
    %sub3A_578 = arith.subi %get3A_566, %sub3A_577 : vector<16xi32>
    %ge3A_579 = arith.constant 25088 : i32
    %ge3A_580 = vector.broadcast %ge3A_579 : i32 to vector<16xi32>
    %ge3A_581 = arith.cmpi sge, %get3A_566, %ge3A_580 : vector<16xi32>
    %sub3A_582 = arith.constant 25088 : i32
    %sub3A_583 = vector.broadcast %sub3A_582 : i32 to vector<16xi32>
    %sub3A_584 = arith.subi %get3A_566, %sub3A_583 : vector<16xi32>
    %select_n3A_585 = arith.select %ge3A_581, %sub3A_584, %get3A_566 : vector<16xi1>, vector<16xi32>
    %select_n3A_586 = arith.select %ge3A_575, %sub3A_578, %select_n3A_585 : vector<16xi1>, vector<16xi32>
    %select_n3A_587 = arith.select %ge3A_569, %sub3A_572, %select_n3A_586 : vector<16xi1>, vector<16xi32>
    %swap3A_588 = arith.constant 2 : i32
    %swap3A_589 = arith.index_cast %swap3A_588 : i32 to index
    %swap3A_590 = arith.constant 80 : index
    %swap3A_591 = tpu.vector_load %arg6[%swap3A_589, %swap3A_590] {strides = array<i32>} : memref<4x128xi32, #tpu.memory_space<vmem>>, vector<16xi32>,
    tpu.vector_store %arg6[%swap3A_589, %swap3A_590], %select_n3A_587 {strides = array<i32>} : memref<4x128xi32, #tpu.memory_space<vmem>>, vector<16xi32>,
    %get3A_592 = arith.constant 352 : index
    %get3A_593 = tpu.vector_load %arg5[%get3A_592] {strides = array<i32>} : memref<512xi32, #tpu.memory_space<vmem>>, vector<16xi32>,
    %ge3A_594 = arith.constant 75264 : i32
    %ge3A_595 = vector.broadcast %ge3A_594 : i32 to vector<16xi32>
    %ge3A_596 = arith.cmpi sge, %get3A_593, %ge3A_595 : vector<16xi32>
    %sub3A_597 = arith.constant 75264 : i32
    %sub3A_598 = vector.broadcast %sub3A_597 : i32 to vector<16xi32>
    %sub3A_599 = arith.subi %get3A_593, %sub3A_598 : vector<16xi32>
    %ge3A_600 = arith.constant 50176 : i32
    %ge3A_601 = vector.broadcast %ge3A_600 : i32 to vector<16xi32>
    %ge3A_602 = arith.cmpi sge, %get3A_593, %ge3A_601 : vector<16xi32>
    %sub3A_603 = arith.constant 50176 : i32
    %sub3A_604 = vector.broadcast %sub3A_603 : i32 to vector<16xi32>
    %sub3A_605 = arith.subi %get3A_593, %sub3A_604 : vector<16xi32>
    %ge3A_606 = arith.constant 25088 : i32
    %ge3A_607 = vector.broadcast %ge3A_606 : i32 to vector<16xi32>
    %ge3A_608 = arith.cmpi sge, %get3A_593, %ge3A_607 : vector<16xi32>
    %sub3A_609 = arith.constant 25088 : i32
    %sub3A_610 = vector.broadcast %sub3A_609 : i32 to vector<16xi32>
    %sub3A_611 = arith.subi %get3A_593, %sub3A_610 : vector<16xi32>
    %select_n3A_612 = arith.select %ge3A_608, %sub3A_611, %get3A_593 : vector<16xi1>, vector<16xi32>
    %select_n3A_613 = arith.select %ge3A_602, %sub3A_605, %select_n3A_612 : vector<16xi1>, vector<16xi32>
    %select_n3A_614 = arith.select %ge3A_596, %sub3A_599, %select_n3A_613 : vector<16xi1>, vector<16xi32>
    %swap3A_615 = arith.constant 2 : i32
    %swap3A_616 = arith.index_cast %swap3A_615 : i32 to index
    %swap3A_617 = arith.constant 96 : index
    %swap3A_618 = tpu.vector_load %arg6[%swap3A_616, %swap3A_617] {strides = array<i32>} : memref<4x128xi32, #tpu.memory_space<vmem>>, vector<16xi32>,
    tpu.vector_store %arg6[%swap3A_616, %swap3A_617], %select_n3A_614 {strides = array<i32>} : memref<4x128xi32, #tpu.memory_space<vmem>>, vector<16xi32>,
    %get3A_619 = arith.constant 368 : index
    %get3A_620 = tpu.vector_load %arg5[%get3A_619] {strides = array<i32>} : memref<512xi32, #tpu.memory_space<vmem>>, vector<16xi32>,
    %ge3A_621 = arith.constant 75264 : i32
    %ge3A_622 = vector.broadcast %ge3A_621 : i32 to vector<16xi32>
    %ge3A_623 = arith.cmpi sge, %get3A_620, %ge3A_622 : vector<16xi32>
    %sub3A_624 = arith.constant 75264 : i32
    %sub3A_625 = vector.broadcast %sub3A_624 : i32 to vector<16xi32>
    %sub3A_626 = arith.subi %get3A_620, %sub3A_625 : vector<16xi32>
    %ge3A_627 = arith.constant 50176 : i32
    %ge3A_628 = vector.broadcast %ge3A_627 : i32 to vector<16xi32>
    %ge3A_629 = arith.cmpi sge, %get3A_620, %ge3A_628 : vector<16xi32>
    %sub3A_630 = arith.constant 50176 : i32
    %sub3A_631 = vector.broadcast %sub3A_630 : i32 to vector<16xi32>
    %sub3A_632 = arith.subi %get3A_620, %sub3A_631 : vector<16xi32>
    %ge3A_633 = arith.constant 25088 : i32
    %ge3A_634 = vector.broadcast %ge3A_633 : i32 to vector<16xi32>
    %ge3A_635 = arith.cmpi sge, %get3A_620, %ge3A_634 : vector<16xi32>
    %sub3A_636 = arith.constant 25088 : i32
    %sub3A_637 = vector.broadcast %sub3A_636 : i32 to vector<16xi32>
    %sub3A_638 = arith.subi %get3A_620, %sub3A_637 : vector<16xi32>
    %select_n3A_639 = arith.select %ge3A_635, %sub3A_638, %get3A_620 : vector<16xi1>, vector<16xi32>
    %select_n3A_640 = arith.select %ge3A_629, %sub3A_632, %select_n3A_639 : vector<16xi1>, vector<16xi32>
    %select_n3A_641 = arith.select %ge3A_623, %sub3A_626, %select_n3A_640 : vector<16xi1>, vector<16xi32>
    %swap3A_642 = arith.constant 2 : i32
    %swap3A_643 = arith.index_cast %swap3A_642 : i32 to index
    %swap3A_644 = arith.constant 112 : index
    %swap3A_645 = tpu.vector_load %arg6[%swap3A_643, %swap3A_644] {strides = array<i32>} : memref<4x128xi32, #tpu.memory_space<vmem>>, vector<16xi32>,
    tpu.vector_store %arg6[%swap3A_643, %swap3A_644], %select_n3A_641 {strides = array<i32>} : memref<4x128xi32, #tpu.memory_space<vmem>>, vector<16xi32>,
    %get3A_646 = arith.constant 384 : index
    %get3A_647 = tpu.vector_load %arg5[%get3A_646] {strides = array<i32>} : memref<512xi32, #tpu.memory_space<vmem>>, vector<16xi32>,
    %ge3A_648 = arith.constant 75264 : i32
    %ge3A_649 = vector.broadcast %ge3A_648 : i32 to vector<16xi32>
    %ge3A_650 = arith.cmpi sge, %get3A_647, %ge3A_649 : vector<16xi32>
    %sub3A_651 = arith.constant 75264 : i32
    %sub3A_652 = vector.broadcast %sub3A_651 : i32 to vector<16xi32>
    %sub3A_653 = arith.subi %get3A_647, %sub3A_652 : vector<16xi32>
    %ge3A_654 = arith.constant 50176 : i32
    %ge3A_655 = vector.broadcast %ge3A_654 : i32 to vector<16xi32>
    %ge3A_656 = arith.cmpi sge, %get3A_647, %ge3A_655 : vector<16xi32>
    %sub3A_657 = arith.constant 50176 : i32
    %sub3A_658 = vector.broadcast %sub3A_657 : i32 to vector<16xi32>
    %sub3A_659 = arith.subi %get3A_647, %sub3A_658 : vector<16xi32>
    %ge3A_660 = arith.constant 25088 : i32
    %ge3A_661 = vector.broadcast %ge3A_660 : i32 to vector<16xi32>
    %ge3A_662 = arith.cmpi sge, %get3A_647, %ge3A_661 : vector<16xi32>
    %sub3A_663 = arith.constant 25088 : i32
    %sub3A_664 = vector.broadcast %sub3A_663 : i32 to vector<16xi32>
    %sub3A_665 = arith.subi %get3A_647, %sub3A_664 : vector<16xi32>
    %select_n3A_666 = arith.select %ge3A_662, %sub3A_665, %get3A_647 : vector<16xi1>, vector<16xi32>
    %select_n3A_667 = arith.select %ge3A_656, %sub3A_659, %select_n3A_666 : vector<16xi1>, vector<16xi32>
    %select_n3A_668 = arith.select %ge3A_650, %sub3A_653, %select_n3A_667 : vector<16xi1>, vector<16xi32>
    %swap3A_669 = arith.constant 3 : i32
    %swap3A_670 = arith.index_cast %swap3A_669 : i32 to index
    %swap3A_671 = arith.constant 0 : index
    %swap3A_672 = tpu.vector_load %arg6[%swap3A_670, %swap3A_671] {strides = array<i32>} : memref<4x128xi32, #tpu.memory_space<vmem>>, vector<16xi32>,
    tpu.vector_store %arg6[%swap3A_670, %swap3A_671], %select_n3A_668 {strides = array<i32>} : memref<4x128xi32, #tpu.memory_space<vmem>>, vector<16xi32>,
    %get3A_673 = arith.constant 400 : index
    %get3A_674 = tpu.vector_load %arg5[%get3A_673] {strides = array<i32>} : memref<512xi32, #tpu.memory_space<vmem>>, vector<16xi32>,
    %ge3A_675 = arith.constant 75264 : i32
    %ge3A_676 = vector.broadcast %ge3A_675 : i32 to vector<16xi32>
    %ge3A_677 = arith.cmpi sge, %get3A_674, %ge3A_676 : vector<16xi32>
    %sub3A_678 = arith.constant 75264 : i32
    %sub3A_679 = vector.broadcast %sub3A_678 : i32 to vector<16xi32>
    %sub3A_680 = arith.subi %get3A_674, %sub3A_679 : vector<16xi32>
    %ge3A_681 = arith.constant 50176 : i32
    %ge3A_682 = vector.broadcast %ge3A_681 : i32 to vector<16xi32>
    %ge3A_683 = arith.cmpi sge, %get3A_674, %ge3A_682 : vector<16xi32>
    %sub3A_684 = arith.constant 50176 : i32
    %sub3A_685 = vector.broadcast %sub3A_684 : i32 to vector<16xi32>
    %sub3A_686 = arith.subi %get3A_674, %sub3A_685 : vector<16xi32>
    %ge3A_687 = arith.constant 25088 : i32
    %ge3A_688 = vector.broadcast %ge3A_687 : i32 to vector<16xi32>
    %ge3A_689 = arith.cmpi sge, %get3A_674, %ge3A_688 : vector<16xi32>
    %sub3A_690 = arith.constant 25088 : i32
    %sub3A_691 = vector.broadcast %sub3A_690 : i32 to vector<16xi32>
    %sub3A_692 = arith.subi %get3A_674, %sub3A_691 : vector<16xi32>
    %select_n3A_693 = arith.select %ge3A_689, %sub3A_692, %get3A_674 : vector<16xi1>, vector<16xi32>
    %select_n3A_694 = arith.select %ge3A_683, %sub3A_686, %select_n3A_693 : vector<16xi1>, vector<16xi32>
    %select_n3A_695 = arith.select %ge3A_677, %sub3A_680, %select_n3A_694 : vector<16xi1>, vector<16xi32>
    %swap3A_696 = arith.constant 3 : i32
    %swap3A_697 = arith.index_cast %swap3A_696 : i32 to index
    %swap3A_698 = arith.constant 16 : index
    %swap3A_699 = tpu.vector_load %arg6[%swap3A_697, %swap3A_698] {strides = array<i32>} : memref<4x128xi32, #tpu.memory_space<vmem>>, vector<16xi32>,
    tpu.vector_store %arg6[%swap3A_697, %swap3A_698], %select_n3A_695 {strides = array<i32>} : memref<4x128xi32, #tpu.memory_space<vmem>>, vector<16xi32>,
    %get3A_700 = arith.constant 416 : index
    %get3A_701 = tpu.vector_load %arg5[%get3A_700] {strides = array<i32>} : memref<512xi32, #tpu.memory_space<vmem>>, vector<16xi32>,
    %ge3A_702 = arith.constant 75264 : i32
    %ge3A_703 = vector.broadcast %ge3A_702 : i32 to vector<16xi32>
    %ge3A_704 = arith.cmpi sge, %get3A_701, %ge3A_703 : vector<16xi32>
    %sub3A_705 = arith.constant 75264 : i32
    %sub3A_706 = vector.broadcast %sub3A_705 : i32 to vector<16xi32>
    %sub3A_707 = arith.subi %get3A_701, %sub3A_706 : vector<16xi32>
    %ge3A_708 = arith.constant 50176 : i32
    %ge3A_709 = vector.broadcast %ge3A_708 : i32 to vector<16xi32>
    %ge3A_710 = arith.cmpi sge, %get3A_701, %ge3A_709 : vector<16xi32>
    %sub3A_711 = arith.constant 50176 : i32
    %sub3A_712 = vector.broadcast %sub3A_711 : i32 to vector<16xi32>
    %sub3A_713 = arith.subi %get3A_701, %sub3A_712 : vector<16xi32>
    %ge3A_714 = arith.constant 25088 : i32
    %ge3A_715 = vector.broadcast %ge3A_714 : i32 to vector<16xi32>
    %ge3A_716 = arith.cmpi sge, %get3A_701, %ge3A_715 : vector<16xi32>
    %sub3A_717 = arith.constant 25088 : i32
    %sub3A_718 = vector.broadcast %sub3A_717 : i32 to vector<16xi32>
    %sub3A_719 = arith.subi %get3A_701, %sub3A_718 : vector<16xi32>
    %select_n3A_720 = arith.select %ge3A_716, %sub3A_719, %get3A_701 : vector<16xi1>, vector<16xi32>
    %select_n3A_721 = arith.select %ge3A_710, %sub3A_713, %select_n3A_720 : vector<16xi1>, vector<16xi32>
    %select_n3A_722 = arith.select %ge3A_704, %sub3A_707, %select_n3A_721 : vector<16xi1>, vector<16xi32>
    %swap3A_723 = arith.constant 3 : i32
    %swap3A_724 = arith.index_cast %swap3A_723 : i32 to index
    %swap3A_725 = arith.constant 32 : index
    %swap3A_726 = tpu.vector_load %arg6[%swap3A_724, %swap3A_725] {strides = array<i32>} : memref<4x128xi32, #tpu.memory_space<vmem>>, vector<16xi32>,
    tpu.vector_store %arg6[%swap3A_724, %swap3A_725], %select_n3A_722 {strides = array<i32>} : memref<4x128xi32, #tpu.memory_space<vmem>>, vector<16xi32>,
    %get3A_727 = arith.constant 432 : index
    %get3A_728 = tpu.vector_load %arg5[%get3A_727] {strides = array<i32>} : memref<512xi32, #tpu.memory_space<vmem>>, vector<16xi32>,
    %ge3A_729 = arith.constant 75264 : i32
    %ge3A_730 = vector.broadcast %ge3A_729 : i32 to vector<16xi32>
    %ge3A_731 = arith.cmpi sge, %get3A_728, %ge3A_730 : vector<16xi32>
    %sub3A_732 = arith.constant 75264 : i32
    %sub3A_733 = vector.broadcast %sub3A_732 : i32 to vector<16xi32>
    %sub3A_734 = arith.subi %get3A_728, %sub3A_733 : vector<16xi32>
    %ge3A_735 = arith.constant 50176 : i32
    %ge3A_736 = vector.broadcast %ge3A_735 : i32 to vector<16xi32>
    %ge3A_737 = arith.cmpi sge, %get3A_728, %ge3A_736 : vector<16xi32>
    %sub3A_738 = arith.constant 50176 : i32
    %sub3A_739 = vector.broadcast %sub3A_738 : i32 to vector<16xi32>
    %sub3A_740 = arith.subi %get3A_728, %sub3A_739 : vector<16xi32>
    %ge3A_741 = arith.constant 25088 : i32
    %ge3A_742 = vector.broadcast %ge3A_741 : i32 to vector<16xi32>
    %ge3A_743 = arith.cmpi sge, %get3A_728, %ge3A_742 : vector<16xi32>
    %sub3A_744 = arith.constant 25088 : i32
    %sub3A_745 = vector.broadcast %sub3A_744 : i32 to vector<16xi32>
    %sub3A_746 = arith.subi %get3A_728, %sub3A_745 : vector<16xi32>
    %select_n3A_747 = arith.select %ge3A_743, %sub3A_746, %get3A_728 : vector<16xi1>, vector<16xi32>
    %select_n3A_748 = arith.select %ge3A_737, %sub3A_740, %select_n3A_747 : vector<16xi1>, vector<16xi32>
    %select_n3A_749 = arith.select %ge3A_731, %sub3A_734, %select_n3A_748 : vector<16xi1>, vector<16xi32>
    %swap3A_750 = arith.constant 3 : i32
    %swap3A_751 = arith.index_cast %swap3A_750 : i32 to index
    %swap3A_752 = arith.constant 48 : index
    %swap3A_753 = tpu.vector_load %arg6[%swap3A_751, %swap3A_752] {strides = array<i32>} : memref<4x128xi32, #tpu.memory_space<vmem>>, vector<16xi32>,
    tpu.vector_store %arg6[%swap3A_751, %swap3A_752], %select_n3A_749 {strides = array<i32>} : memref<4x128xi32, #tpu.memory_space<vmem>>, vector<16xi32>,
    %get3A_754 = arith.constant 448 : index
    %get3A_755 = tpu.vector_load %arg5[%get3A_754] {strides = array<i32>} : memref<512xi32, #tpu.memory_space<vmem>>, vector<16xi32>,
    %ge3A_756 = arith.constant 75264 : i32
    %ge3A_757 = vector.broadcast %ge3A_756 : i32 to vector<16xi32>
    %ge3A_758 = arith.cmpi sge, %get3A_755, %ge3A_757 : vector<16xi32>
    %sub3A_759 = arith.constant 75264 : i32
    %sub3A_760 = vector.broadcast %sub3A_759 : i32 to vector<16xi32>
    %sub3A_761 = arith.subi %get3A_755, %sub3A_760 : vector<16xi32>
    %ge3A_762 = arith.constant 50176 : i32
    %ge3A_763 = vector.broadcast %ge3A_762 : i32 to vector<16xi32>
    %ge3A_764 = arith.cmpi sge, %get3A_755, %ge3A_763 : vector<16xi32>
    %sub3A_765 = arith.constant 50176 : i32
    %sub3A_766 = vector.broadcast %sub3A_765 : i32 to vector<16xi32>
    %sub3A_767 = arith.subi %get3A_755, %sub3A_766 : vector<16xi32>
    %ge3A_768 = arith.constant 25088 : i32
    %ge3A_769 = vector.broadcast %ge3A_768 : i32 to vector<16xi32>
    %ge3A_770 = arith.cmpi sge, %get3A_755, %ge3A_769 : vector<16xi32>
    %sub3A_771 = arith.constant 25088 : i32
    %sub3A_772 = vector.broadcast %sub3A_771 : i32 to vector<16xi32>
    %sub3A_773 = arith.subi %get3A_755, %sub3A_772 : vector<16xi32>
    %select_n3A_774 = arith.select %ge3A_770, %sub3A_773, %get3A_755 : vector<16xi1>, vector<16xi32>
    %select_n3A_775 = arith.select %ge3A_764, %sub3A_767, %select_n3A_774 : vector<16xi1>, vector<16xi32>
    %select_n3A_776 = arith.select %ge3A_758, %sub3A_761, %select_n3A_775 : vector<16xi1>, vector<16xi32>
    %swap3A_777 = arith.constant 3 : i32
    %swap3A_778 = arith.index_cast %swap3A_777 : i32 to index
    %swap3A_779 = arith.constant 64 : index
    %swap3A_780 = tpu.vector_load %arg6[%swap3A_778, %swap3A_779] {strides = array<i32>} : memref<4x128xi32, #tpu.memory_space<vmem>>, vector<16xi32>,
    tpu.vector_store %arg6[%swap3A_778, %swap3A_779], %select_n3A_776 {strides = array<i32>} : memref<4x128xi32, #tpu.memory_space<vmem>>, vector<16xi32>,
    %get3A_781 = arith.constant 464 : index
    %get3A_782 = tpu.vector_load %arg5[%get3A_781] {strides = array<i32>} : memref<512xi32, #tpu.memory_space<vmem>>, vector<16xi32>,
    %ge3A_783 = arith.constant 75264 : i32
    %ge3A_784 = vector.broadcast %ge3A_783 : i32 to vector<16xi32>
    %ge3A_785 = arith.cmpi sge, %get3A_782, %ge3A_784 : vector<16xi32>
    %sub3A_786 = arith.constant 75264 : i32
    %sub3A_787 = vector.broadcast %sub3A_786 : i32 to vector<16xi32>
    %sub3A_788 = arith.subi %get3A_782, %sub3A_787 : vector<16xi32>
    %ge3A_789 = arith.constant 50176 : i32
    %ge3A_790 = vector.broadcast %ge3A_789 : i32 to vector<16xi32>
    %ge3A_791 = arith.cmpi sge, %get3A_782, %ge3A_790 : vector<16xi32>
    %sub3A_792 = arith.constant 50176 : i32
    %sub3A_793 = vector.broadcast %sub3A_792 : i32 to vector<16xi32>
    %sub3A_794 = arith.subi %get3A_782, %sub3A_793 : vector<16xi32>
    %ge3A_795 = arith.constant 25088 : i32
    %ge3A_796 = vector.broadcast %ge3A_795 : i32 to vector<16xi32>
    %ge3A_797 = arith.cmpi sge, %get3A_782, %ge3A_796 : vector<16xi32>
    %sub3A_798 = arith.constant 25088 : i32
    %sub3A_799 = vector.broadcast %sub3A_798 : i32 to vector<16xi32>
    %sub3A_800 = arith.subi %get3A_782, %sub3A_799 : vector<16xi32>
    %select_n3A_801 = arith.select %ge3A_797, %sub3A_800, %get3A_782 : vector<16xi1>, vector<16xi32>
    %select_n3A_802 = arith.select %ge3A_791, %sub3A_794, %select_n3A_801 : vector<16xi1>, vector<16xi32>
    %select_n3A_803 = arith.select %ge3A_785, %sub3A_788, %select_n3A_802 : vector<16xi1>, vector<16xi32>
    %swap3A_804 = arith.constant 3 : i32
    %swap3A_805 = arith.index_cast %swap3A_804 : i32 to index
    %swap3A_806 = arith.constant 80 : index
    %swap3A_807 = tpu.vector_load %arg6[%swap3A_805, %swap3A_806] {strides = array<i32>} : memref<4x128xi32, #tpu.memory_space<vmem>>, vector<16xi32>,
    tpu.vector_store %arg6[%swap3A_805, %swap3A_806], %select_n3A_803 {strides = array<i32>} : memref<4x128xi32, #tpu.memory_space<vmem>>, vector<16xi32>,
    %get3A_808 = arith.constant 480 : index
    %get3A_809 = tpu.vector_load %arg5[%get3A_808] {strides = array<i32>} : memref<512xi32, #tpu.memory_space<vmem>>, vector<16xi32>,
    %ge3A_810 = arith.constant 75264 : i32
    %ge3A_811 = vector.broadcast %ge3A_810 : i32 to vector<16xi32>
    %ge3A_812 = arith.cmpi sge, %get3A_809, %ge3A_811 : vector<16xi32>
    %sub3A_813 = arith.constant 75264 : i32
    %sub3A_814 = vector.broadcast %sub3A_813 : i32 to vector<16xi32>
    %sub3A_815 = arith.subi %get3A_809, %sub3A_814 : vector<16xi32>
    %ge3A_816 = arith.constant 50176 : i32
    %ge3A_817 = vector.broadcast %ge3A_816 : i32 to vector<16xi32>
    %ge3A_818 = arith.cmpi sge, %get3A_809, %ge3A_817 : vector<16xi32>
    %sub3A_819 = arith.constant 50176 : i32
    %sub3A_820 = vector.broadcast %sub3A_819 : i32 to vector<16xi32>
    %sub3A_821 = arith.subi %get3A_809, %sub3A_820 : vector<16xi32>
    %ge3A_822 = arith.constant 25088 : i32
    %ge3A_823 = vector.broadcast %ge3A_822 : i32 to vector<16xi32>
    %ge3A_824 = arith.cmpi sge, %get3A_809, %ge3A_823 : vector<16xi32>
    %sub3A_825 = arith.constant 25088 : i32
    %sub3A_826 = vector.broadcast %sub3A_825 : i32 to vector<16xi32>
    %sub3A_827 = arith.subi %get3A_809, %sub3A_826 : vector<16xi32>
    %select_n3A_828 = arith.select %ge3A_824, %sub3A_827, %get3A_809 : vector<16xi1>, vector<16xi32>
    %select_n3A_829 = arith.select %ge3A_818, %sub3A_821, %select_n3A_828 : vector<16xi1>, vector<16xi32>
    %select_n3A_830 = arith.select %ge3A_812, %sub3A_815, %select_n3A_829 : vector<16xi1>, vector<16xi32>
    %swap3A_831 = arith.constant 3 : i32
    %swap3A_832 = arith.index_cast %swap3A_831 : i32 to index
    %swap3A_833 = arith.constant 96 : index
    %swap3A_834 = tpu.vector_load %arg6[%swap3A_832, %swap3A_833] {strides = array<i32>} : memref<4x128xi32, #tpu.memory_space<vmem>>, vector<16xi32>,
    tpu.vector_store %arg6[%swap3A_832, %swap3A_833], %select_n3A_830 {strides = array<i32>} : memref<4x128xi32, #tpu.memory_space<vmem>>, vector<16xi32>,
    %get3A_835 = arith.constant 496 : index
    %get3A_836 = tpu.vector_load %arg5[%get3A_835] {strides = array<i32>} : memref<512xi32, #tpu.memory_space<vmem>>, vector<16xi32>,
    %ge3A_837 = arith.constant 75264 : i32
    %ge3A_838 = vector.broadcast %ge3A_837 : i32 to vector<16xi32>
    %ge3A_839 = arith.cmpi sge, %get3A_836, %ge3A_838 : vector<16xi32>
    %sub3A_840 = arith.constant 75264 : i32
    %sub3A_841 = vector.broadcast %sub3A_840 : i32 to vector<16xi32>
    %sub3A_842 = arith.subi %get3A_836, %sub3A_841 : vector<16xi32>
    %ge3A_843 = arith.constant 50176 : i32
    %ge3A_844 = vector.broadcast %ge3A_843 : i32 to vector<16xi32>
    %ge3A_845 = arith.cmpi sge, %get3A_836, %ge3A_844 : vector<16xi32>
    %sub3A_846 = arith.constant 50176 : i32
    %sub3A_847 = vector.broadcast %sub3A_846 : i32 to vector<16xi32>
    %sub3A_848 = arith.subi %get3A_836, %sub3A_847 : vector<16xi32>
    %ge3A_849 = arith.constant 25088 : i32
    %ge3A_850 = vector.broadcast %ge3A_849 : i32 to vector<16xi32>
    %ge3A_851 = arith.cmpi sge, %get3A_836, %ge3A_850 : vector<16xi32>
    %sub3A_852 = arith.constant 25088 : i32
    %sub3A_853 = vector.broadcast %sub3A_852 : i32 to vector<16xi32>
    %sub3A_854 = arith.subi %get3A_836, %sub3A_853 : vector<16xi32>
    %select_n3A_855 = arith.select %ge3A_851, %sub3A_854, %get3A_836 : vector<16xi1>, vector<16xi32>
    %select_n3A_856 = arith.select %ge3A_845, %sub3A_848, %select_n3A_855 : vector<16xi1>, vector<16xi32>
    %select_n3A_857 = arith.select %ge3A_839, %sub3A_842, %select_n3A_856 : vector<16xi1>, vector<16xi32>
    %swap3A_858 = arith.constant 3 : i32
    %swap3A_859 = arith.index_cast %swap3A_858 : i32 to index
    %swap3A_860 = arith.constant 112 : index
    %swap3A_861 = tpu.vector_load %arg6[%swap3A_859, %swap3A_860] {strides = array<i32>} : memref<4x128xi32, #tpu.memory_space<vmem>>, vector<16xi32>,
    tpu.vector_store %arg6[%swap3A_859, %swap3A_860], %select_n3A_857 {strides = array<i32>} : memref<4x128xi32, #tpu.memory_space<vmem>>, vector<16xi32>,
    %dma_start3A = arith.constant 0 : i32
    %dma_start3A_862 = arith.constant 0 : i32
    %dma_start3A_863 = arith.constant 0 : i32
    %dma_start3A_864 = tpu.memref_slice %arg7[%dma_start3A_862, %dma_start3A_863] : memref<512x128xf32, #tpu.memory_space<vmem>> -> memref<128x128xf32, #tpu.memory_space<vmem>>
    %dma_start3A_865 = arith.constant 0 : i32
    %dma_start3A_866 = tpu.memref_slice %arg6[%dma_start3A, %dma_start3A_865] : memref<4x128xi32, #tpu.memory_space<vmem>> -> memref<1x128xi32, #tpu.memory_space<vmem>>
    %dma_start3A_867 = tpu.memref_squeeze %dma_start3A_866 : memref<1x128xi32, #tpu.memory_space<vmem>> -> memref<128xi32, #tpu.memory_space<vmem>>
    %dma_start3A_868 = arith.constant 0 : i32
    %dma_start3A_869 = arith.constant 0 : i32
    %dma_start3A_870 = tpu.memref_slice %arg3[%dma_start3A_868, %dma_start3A_869] : memref<25088x128xf32, #tpu.memory_space<hbm>> -> memref<25088x128xf32, #tpu.memory_space<hbm>>
    tpu.enqueue_indirect_dma source(%dma_start3A_870 : memref<25088x128xf32, #tpu.memory_space<hbm>>) target(%dma_start3A_864 : memref<128x128xf32, #tpu.memory_space<vmem>>) offsets(%dma_start3A_867 : memref<128xi32, #tpu.memory_space<vmem>>) semaphore(%arg9 : memref<!tpu.dma_semaphore, #tpu.memory_space<semaphore_mem>>)
    %dma_start3A_871 = arith.constant 1 : i32
    %dma_start3A_872 = arith.constant 128 : i32
    %dma_start3A_873 = arith.constant 0 : i32
    %dma_start3A_874 = tpu.memref_slice %arg7[%dma_start3A_872, %dma_start3A_873] : memref<512x128xf32, #tpu.memory_space<vmem>> -> memref<128x128xf32, #tpu.memory_space<vmem>>
    %dma_start3A_875 = arith.constant 0 : i32
    %dma_start3A_876 = tpu.memref_slice %arg6[%dma_start3A_871, %dma_start3A_875] : memref<4x128xi32, #tpu.memory_space<vmem>> -> memref<1x128xi32, #tpu.memory_space<vmem>>
    %dma_start3A_877 = tpu.memref_squeeze %dma_start3A_876 : memref<1x128xi32, #tpu.memory_space<vmem>> -> memref<128xi32, #tpu.memory_space<vmem>>
    %dma_start3A_878 = arith.constant 0 : i32
    %dma_start3A_879 = arith.constant 0 : i32
    %dma_start3A_880 = tpu.memref_slice %arg3[%dma_start3A_878, %dma_start3A_879] : memref<25088x128xf32, #tpu.memory_space<hbm>> -> memref<25088x128xf32, #tpu.memory_space<hbm>>
    tpu.enqueue_indirect_dma source(%dma_start3A_880 : memref<25088x128xf32, #tpu.memory_space<hbm>>) target(%dma_start3A_874 : memref<128x128xf32, #tpu.memory_space<vmem>>) offsets(%dma_start3A_877 : memref<128xi32, #tpu.memory_space<vmem>>) semaphore(%arg9 : memref<!tpu.dma_semaphore, #tpu.memory_space<semaphore_mem>>)
    %dma_start3A_881 = arith.constant 2 : i32
    %dma_start3A_882 = arith.constant 256 : i32
    %dma_start3A_883 = arith.constant 0 : i32
    %dma_start3A_884 = tpu.memref_slice %arg7[%dma_start3A_882, %dma_start3A_883] : memref<512x128xf32, #tpu.memory_space<vmem>> -> memref<128x128xf32, #tpu.memory_space<vmem>>
    %dma_start3A_885 = arith.constant 0 : i32
    %dma_start3A_886 = tpu.memref_slice %arg6[%dma_start3A_881, %dma_start3A_885] : memref<4x128xi32, #tpu.memory_space<vmem>> -> memref<1x128xi32, #tpu.memory_space<vmem>>
    %dma_start3A_887 = tpu.memref_squeeze %dma_start3A_886 : memref<1x128xi32, #tpu.memory_space<vmem>> -> memref<128xi32, #tpu.memory_space<vmem>>
    %dma_start3A_888 = arith.constant 0 : i32
    %dma_start3A_889 = arith.constant 0 : i32
    %dma_start3A_890 = tpu.memref_slice %arg3[%dma_start3A_888, %dma_start3A_889] : memref<25088x128xf32, #tpu.memory_space<hbm>> -> memref<25088x128xf32, #tpu.memory_space<hbm>>
    tpu.enqueue_indirect_dma source(%dma_start3A_890 : memref<25088x128xf32, #tpu.memory_space<hbm>>) target(%dma_start3A_884 : memref<128x128xf32, #tpu.memory_space<vmem>>) offsets(%dma_start3A_887 : memref<128xi32, #tpu.memory_space<vmem>>) semaphore(%arg9 : memref<!tpu.dma_semaphore, #tpu.memory_space<semaphore_mem>>)
    %dma_start3A_891 = arith.constant 3 : i32
    %dma_start3A_892 = arith.constant 384 : i32
    %dma_start3A_893 = arith.constant 0 : i32
    %dma_start3A_894 = tpu.memref_slice %arg7[%dma_start3A_892, %dma_start3A_893] : memref<512x128xf32, #tpu.memory_space<vmem>> -> memref<128x128xf32, #tpu.memory_space<vmem>>
    %dma_start3A_895 = arith.constant 0 : i32
    %dma_start3A_896 = tpu.memref_slice %arg6[%dma_start3A_891, %dma_start3A_895] : memref<4x128xi32, #tpu.memory_space<vmem>> -> memref<1x128xi32, #tpu.memory_space<vmem>>
    %dma_start3A_897 = tpu.memref_squeeze %dma_start3A_896 : memref<1x128xi32, #tpu.memory_space<vmem>> -> memref<128xi32, #tpu.memory_space<vmem>>
    %dma_start3A_898 = arith.constant 0 : i32
    %dma_start3A_899 = arith.constant 0 : i32
    %dma_start3A_900 = tpu.memref_slice %arg3[%dma_start3A_898, %dma_start3A_899] : memref<25088x128xf32, #tpu.memory_space<hbm>> -> memref<25088x128xf32, #tpu.memory_space<hbm>>
    tpu.enqueue_indirect_dma source(%dma_start3A_900 : memref<25088x128xf32, #tpu.memory_space<hbm>>) target(%dma_start3A_894 : memref<128x128xf32, #tpu.memory_space<vmem>>) offsets(%dma_start3A_897 : memref<128xi32, #tpu.memory_space<vmem>>) semaphore(%arg9 : memref<!tpu.dma_semaphore, #tpu.memory_space<semaphore_mem>>)
    %dma_wait3A = arith.constant 0 : i32
    %dma_wait3A_901 = arith.constant 0 : i32
    %dma_wait3A_902 = arith.constant 0 : i32
    %dma_wait3A_903 = tpu.memref_slice %arg7[%dma_wait3A_901, %dma_wait3A_902] : memref<512x128xf32, #tpu.memory_space<vmem>> -> memref<128x128xf32, #tpu.memory_space<vmem>>
    %dma_wait3A_904 = arith.constant 0 : i32
    %dma_wait3A_905 = tpu.memref_slice %arg6[%dma_wait3A, %dma_wait3A_904] : memref<4x128xi32, #tpu.memory_space<vmem>> -> memref<1x128xi32, #tpu.memory_space<vmem>>
    %dma_wait3A_906 = tpu.memref_squeeze %dma_wait3A_905 : memref<1x128xi32, #tpu.memory_space<vmem>> -> memref<128xi32, #tpu.memory_space<vmem>>
    %dma_wait3A_907 = arith.constant 0 : i32
    %dma_wait3A_908 = arith.constant 0 : i32
    %dma_wait3A_909 = tpu.memref_slice %arg3[%dma_wait3A_907, %dma_wait3A_908] : memref<25088x128xf32, #tpu.memory_space<hbm>> -> memref<25088x128xf32, #tpu.memory_space<hbm>>
    tpu.wait_indirect_dma semaphore(%arg9 : memref<!tpu.dma_semaphore, #tpu.memory_space<semaphore_mem>>) src(%dma_wait3A_909 : memref<25088x128xf32, #tpu.memory_space<hbm>>) dst(%dma_wait3A_903 : memref<128x128xf32, #tpu.memory_space<vmem>>)
    %dma_wait3A_910 = arith.constant 1 : i32
    %dma_wait3A_911 = arith.constant 128 : i32
    %dma_wait3A_912 = arith.constant 0 : i32
    %dma_wait3A_913 = tpu.memref_slice %arg7[%dma_wait3A_911, %dma_wait3A_912] : memref<512x128xf32, #tpu.memory_space<vmem>> -> memref<128x128xf32, #tpu.memory_space<vmem>>
    %dma_wait3A_914 = arith.constant 0 : i32
    %dma_wait3A_915 = tpu.memref_slice %arg6[%dma_wait3A_910, %dma_wait3A_914] : memref<4x128xi32, #tpu.memory_space<vmem>> -> memref<1x128xi32, #tpu.memory_space<vmem>>
    %dma_wait3A_916 = tpu.memref_squeeze %dma_wait3A_915 : memref<1x128xi32, #tpu.memory_space<vmem>> -> memref<128xi32, #tpu.memory_space<vmem>>
    %dma_wait3A_917 = arith.constant 0 : i32
    %dma_wait3A_918 = arith.constant 0 : i32
    %dma_wait3A_919 = tpu.memref_slice %arg3[%dma_wait3A_917, %dma_wait3A_918] : memref<25088x128xf32, #tpu.memory_space<hbm>> -> memref<25088x128xf32, #tpu.memory_space<hbm>>
    tpu.wait_indirect_dma semaphore(%arg9 : memref<!tpu.dma_semaphore, #tpu.memory_space<semaphore_mem>>) src(%dma_wait3A_919 : memref<25088x128xf32, #tpu.memory_space<hbm>>) dst(%dma_wait3A_913 : memref<128x128xf32, #tpu.memory_space<vmem>>)
    %dma_wait3A_920 = arith.constant 2 : i32
    %dma_wait3A_921 = arith.constant 256 : i32
    %dma_wait3A_922 = arith.constant 0 : i32
    %dma_wait3A_923 = tpu.memref_slice %arg7[%dma_wait3A_921, %dma_wait3A_922] : memref<512x128xf32, #tpu.memory_space<vmem>> -> memref<128x128xf32, #tpu.memory_space<vmem>>
    %dma_wait3A_924 = arith.constant 0 : i32
    %dma_wait3A_925 = tpu.memref_slice %arg6[%dma_wait3A_920, %dma_wait3A_924] : memref<4x128xi32, #tpu.memory_space<vmem>> -> memref<1x128xi32, #tpu.memory_space<vmem>>
    %dma_wait3A_926 = tpu.memref_squeeze %dma_wait3A_925 : memref<1x128xi32, #tpu.memory_space<vmem>> -> memref<128xi32, #tpu.memory_space<vmem>>
    %dma_wait3A_927 = arith.constant 0 : i32
    %dma_wait3A_928 = arith.constant 0 : i32
    %dma_wait3A_929 = tpu.memref_slice %arg3[%dma_wait3A_927, %dma_wait3A_928] : memref<25088x128xf32, #tpu.memory_space<hbm>> -> memref<25088x128xf32, #tpu.memory_space<hbm>>
    tpu.wait_indirect_dma semaphore(%arg9 : memref<!tpu.dma_semaphore, #tpu.memory_space<semaphore_mem>>) src(%dma_wait3A_929 : memref<25088x128xf32, #tpu.memory_space<hbm>>) dst(%dma_wait3A_923 : memref<128x128xf32, #tpu.memory_space<vmem>>)
    %dma_wait3A_930 = arith.constant 3 : i32
    %dma_wait3A_931 = arith.constant 384 : i32
    %dma_wait3A_932 = arith.constant 0 : i32
    %dma_wait3A_933 = tpu.memref_slice %arg7[%dma_wait3A_931, %dma_wait3A_932] : memref<512x128xf32, #tpu.memory_space<vmem>> -> memref<128x128xf32, #tpu.memory_space<vmem>>
    %dma_wait3A_934 = arith.constant 0 : i32
    %dma_wait3A_935 = tpu.memref_slice %arg6[%dma_wait3A_930, %dma_wait3A_934] : memref<4x128xi32, #tpu.memory_space<vmem>> -> memref<1x128xi32, #tpu.memory_space<vmem>>
    %dma_wait3A_936 = tpu.memref_squeeze %dma_wait3A_935 : memref<1x128xi32, #tpu.memory_space<vmem>> -> memref<128xi32, #tpu.memory_space<vmem>>
    %dma_wait3A_937 = arith.constant 0 : i32
    %dma_wait3A_938 = arith.constant 0 : i32
    %dma_wait3A_939 = tpu.memref_slice %arg3[%dma_wait3A_937, %dma_wait3A_938] : memref<25088x128xf32, #tpu.memory_space<hbm>> -> memref<25088x128xf32, #tpu.memory_space<hbm>>
    tpu.wait_indirect_dma semaphore(%arg9 : memref<!tpu.dma_semaphore, #tpu.memory_space<semaphore_mem>>) src(%dma_wait3A_939 : memref<25088x128xf32, #tpu.memory_space<hbm>>) dst(%dma_wait3A_933 : memref<128x128xf32, #tpu.memory_space<vmem>>)
    %iota3A = tpu.iota {dimensions = array<i32: 0>} : vector<16xi32>
    %add3A_940 = arith.constant 16 : i32
    %add3A_941 = vector.broadcast %add3A_940 : i32 to vector<16xi32>
    %add3A_942 = arith.addi %iota3A, %add3A_941 : vector<16xi32>
    %scan3A = arith.constant 0 : i32
    %scan3A_943 = arith.constant 0 : i32
    %scan3A_944 = arith.constant 32 : i32
    %scan3A_945 = arith.addi %scan3A_943, %scan3A_944 : i32
    %scan3A_946 = arith.constant 1 : i32
    scf.for %scan3A_948 = %scan3A_943 to %scan3A_945 step %scan3A_946  : i32 {
      %mul3A_949 = arith.constant 16 : i32
      %mul3A_950 = arith.muli %mul3A_949, %scan3A_948 : i32
      %get3A_951 = arith.index_cast %mul3A_950 : i32 to index
      %get3A_952 = tpu.vector_load %arg5[%get3A_951] {strides = array<i32>} : memref<512xi32, #tpu.memory_space<vmem>>, vector<16xi32>,
      %ge3A_953 = arith.constant 75264 : i32
      %ge3A_954 = vector.broadcast %ge3A_953 : i32 to vector<16xi32>
      %ge3A_955 = arith.cmpi sge, %get3A_952, %ge3A_954 : vector<16xi32>
      %ge3A_956 = arith.constant 50176 : i32
      %ge3A_957 = vector.broadcast %ge3A_956 : i32 to vector<16xi32>
      %ge3A_958 = arith.cmpi sge, %get3A_952, %ge3A_957 : vector<16xi32>
      %ge3A_959 = arith.constant 25088 : i32
      %ge3A_960 = vector.broadcast %ge3A_959 : i32 to vector<16xi32>
      %ge3A_961 = arith.cmpi sge, %get3A_952, %ge3A_960 : vector<16xi32>
      %jit3A = arith.constant 32 : i32
      %jit3A_962 = arith.constant 0 : i32
      %broadcast_in_dim3A = vector.broadcast %jit3A : i32 to vector<16xi32>
      %broadcast_in_dim3A_963 = vector.broadcast %jit3A_962 : i32 to vector<16xi32>
      %select_n3A_964 = arith.select %ge3A_961, %broadcast_in_dim3A, %broadcast_in_dim3A_963 : vector<16xi1>, vector<16xi32>
      %jit3A_965 = arith.constant 64 : i32
      %broadcast_in_dim3A_966 = vector.broadcast %jit3A_965 : i32 to vector<16xi32>
      %select_n3A_967 = arith.select %ge3A_958, %broadcast_in_dim3A_966, %select_n3A_964 : vector<16xi1>, vector<16xi32>
      %jit3A_968 = arith.constant 96 : i32
      %broadcast_in_dim3A_969 = vector.broadcast %jit3A_968 : i32 to vector<16xi32>
      %select_n3A_970 = arith.select %ge3A_955, %broadcast_in_dim3A_969, %select_n3A_967 : vector<16xi1>, vector<16xi32>
      %mul3A_971 = arith.constant 16 : i32
      %mul3A_972 = arith.muli %mul3A_971, %scan3A_948 : i32
      %add3A_973 = arith.constant 0 : i32
      %add3A_974 = arith.addi %mul3A_972, %add3A_973 : i32
      %slice3A = vector.extract_strided_slice %select_n3A_970 {offsets = [0], sizes = [1], strides = [1]} : vector<16xi32> to vector<1xi32>
      %squeeze3A = vector.extract %slice3A[0] : i32 from vector<1xi32>
      %get3A_975 = arith.index_cast %add3A_974 : i32 to index
      %get3A_976 = arith.index_cast %squeeze3A : i32 to index
      %get3A_977 = tpu.vector_load %arg7[%get3A_975, %get3A_976] {strides = array<i32>} : memref<512x128xf32, #tpu.memory_space<vmem>>, vector<16xf32>,
      %add3A_978 = arith.constant 16 : i32
      %add3A_979 = arith.addi %squeeze3A, %add3A_978 : i32
      %get3A_980 = arith.index_cast %add3A_974 : i32 to index
      %get3A_981 = arith.index_cast %add3A_979 : i32 to index
      %get3A_982 = tpu.vector_load %arg7[%get3A_980, %get3A_981] {strides = array<i32>} : memref<512x128xf32, #tpu.memory_space<vmem>>, vector<16xf32>,
      %broadcast_in_dim3A_983 = vector.broadcast %add3A_974 : i32 to vector<16xi32>
      tpu.vector_store_idx %arg8[%iota3A, %broadcast_in_dim3A_983], %get3A_977 : memref<32x513xf32, #tpu.memory_space<vmem>>[vector<16xi32>, vector<16xi32>], vector<16xf32>,
      tpu.vector_store_idx %arg8[%add3A_942, %broadcast_in_dim3A_983], %get3A_982 : memref<32x513xf32, #tpu.memory_space<vmem>>[vector<16xi32>, vector<16xi32>], vector<16xf32>,
      %mul3A_984 = arith.constant 16 : i32
      %mul3A_985 = arith.muli %mul3A_984, %scan3A_948 : i32
      %add3A_986 = arith.constant 1 : i32
      %add3A_987 = arith.addi %mul3A_985, %add3A_986 : i32
      %slice3A_988 = vector.extract_strided_slice %select_n3A_970 {offsets = [1], sizes = [1], strides = [1]} : vector<16xi32> to vector<1xi32>
      %squeeze3A_989 = vector.extract %slice3A_988[0] : i32 from vector<1xi32>
      %get3A_990 = arith.index_cast %add3A_987 : i32 to index
      %get3A_991 = arith.index_cast %squeeze3A_989 : i32 to index
      %get3A_992 = tpu.vector_load %arg7[%get3A_990, %get3A_991] {strides = array<i32>} : memref<512x128xf32, #tpu.memory_space<vmem>>, vector<16xf32>,
      %add3A_993 = arith.constant 16 : i32
      %add3A_994 = arith.addi %squeeze3A_989, %add3A_993 : i32
      %get3A_995 = arith.index_cast %add3A_987 : i32 to index
      %get3A_996 = arith.index_cast %add3A_994 : i32 to index
      %get3A_997 = tpu.vector_load %arg7[%get3A_995, %get3A_996] {strides = array<i32>} : memref<512x128xf32, #tpu.memory_space<vmem>>, vector<16xf32>,
      %broadcast_in_dim3A_998 = vector.broadcast %add3A_987 : i32 to vector<16xi32>
      tpu.vector_store_idx %arg8[%iota3A, %broadcast_in_dim3A_998], %get3A_992 : memref<32x513xf32, #tpu.memory_space<vmem>>[vector<16xi32>, vector<16xi32>], vector<16xf32>,
      tpu.vector_store_idx %arg8[%add3A_942, %broadcast_in_dim3A_998], %get3A_997 : memref<32x513xf32, #tpu.memory_space<vmem>>[vector<16xi32>, vector<16xi32>], vector<16xf32>,
      %mul3A_999 = arith.constant 16 : i32
      %mul3A_1000 = arith.muli %mul3A_999, %scan3A_948 : i32
      %add3A_1001 = arith.constant 2 : i32
      %add3A_1002 = arith.addi %mul3A_1000, %add3A_1001 : i32
      %slice3A_1003 = vector.extract_strided_slice %select_n3A_970 {offsets = [2], sizes = [1], strides = [1]} : vector<16xi32> to vector<1xi32>
      %squeeze3A_1004 = vector.extract %slice3A_1003[0] : i32 from vector<1xi32>
      %get3A_1005 = arith.index_cast %add3A_1002 : i32 to index
      %get3A_1006 = arith.index_cast %squeeze3A_1004 : i32 to index
      %get3A_1007 = tpu.vector_load %arg7[%get3A_1005, %get3A_1006] {strides = array<i32>} : memref<512x128xf32, #tpu.memory_space<vmem>>, vector<16xf32>,
      %add3A_1008 = arith.constant 16 : i32
      %add3A_1009 = arith.addi %squeeze3A_1004, %add3A_1008 : i32
      %get3A_1010 = arith.index_cast %add3A_1002 : i32 to index
      %get3A_1011 = arith.index_cast %add3A_1009 : i32 to index
      %get3A_1012 = tpu.vector_load %arg7[%get3A_1010, %get3A_1011] {strides = array<i32>} : memref<512x128xf32, #tpu.memory_space<vmem>>, vector<16xf32>,
      %broadcast_in_dim3A_1013 = vector.broadcast %add3A_1002 : i32 to vector<16xi32>
      tpu.vector_store_idx %arg8[%iota3A, %broadcast_in_dim3A_1013], %get3A_1007 : memref<32x513xf32, #tpu.memory_space<vmem>>[vector<16xi32>, vector<16xi32>], vector<16xf32>,
      tpu.vector_store_idx %arg8[%add3A_942, %broadcast_in_dim3A_1013], %get3A_1012 : memref<32x513xf32, #tpu.memory_space<vmem>>[vector<16xi32>, vector<16xi32>], vector<16xf32>,
      %mul3A_1014 = arith.constant 16 : i32
      %mul3A_1015 = arith.muli %mul3A_1014, %scan3A_948 : i32
      %add3A_1016 = arith.constant 3 : i32
      %add3A_1017 = arith.addi %mul3A_1015, %add3A_1016 : i32
      %slice3A_1018 = vector.extract_strided_slice %select_n3A_970 {offsets = [3], sizes = [1], strides = [1]} : vector<16xi32> to vector<1xi32>
      %squeeze3A_1019 = vector.extract %slice3A_1018[0] : i32 from vector<1xi32>
      %get3A_1020 = arith.index_cast %add3A_1017 : i32 to index
      %get3A_1021 = arith.index_cast %squeeze3A_1019 : i32 to index
      %get3A_1022 = tpu.vector_load %arg7[%get3A_1020, %get3A_1021] {strides = array<i32>} : memref<512x128xf32, #tpu.memory_space<vmem>>, vector<16xf32>,
      %add3A_1023 = arith.constant 16 : i32
      %add3A_1024 = arith.addi %squeeze3A_1019, %add3A_1023 : i32
      %get3A_1025 = arith.index_cast %add3A_1017 : i32 to index
      %get3A_1026 = arith.index_cast %add3A_1024 : i32 to index
      %get3A_1027 = tpu.vector_load %arg7[%get3A_1025, %get3A_1026] {strides = array<i32>} : memref<512x128xf32, #tpu.memory_space<vmem>>, vector<16xf32>,
      %broadcast_in_dim3A_1028 = vector.broadcast %add3A_1017 : i32 to vector<16xi32>
      tpu.vector_store_idx %arg8[%iota3A, %broadcast_in_dim3A_1028], %get3A_1022 : memref<32x513xf32, #tpu.memory_space<vmem>>[vector<16xi32>, vector<16xi32>], vector<16xf32>,
      tpu.vector_store_idx %arg8[%add3A_942, %broadcast_in_dim3A_1028], %get3A_1027 : memref<32x513xf32, #tpu.memory_space<vmem>>[vector<16xi32>, vector<16xi32>], vector<16xf32>,
      %mul3A_1029 = arith.constant 16 : i32
      %mul3A_1030 = arith.muli %mul3A_1029, %scan3A_948 : i32
      %add3A_1031 = arith.constant 4 : i32
      %add3A_1032 = arith.addi %mul3A_1030, %add3A_1031 : i32
      %slice3A_1033 = vector.extract_strided_slice %select_n3A_970 {offsets = [4], sizes = [1], strides = [1]} : vector<16xi32> to vector<1xi32>
      %squeeze3A_1034 = vector.extract %slice3A_1033[0] : i32 from vector<1xi32>
      %get3A_1035 = arith.index_cast %add3A_1032 : i32 to index
      %get3A_1036 = arith.index_cast %squeeze3A_1034 : i32 to index
      %get3A_1037 = tpu.vector_load %arg7[%get3A_1035, %get3A_1036] {strides = array<i32>} : memref<512x128xf32, #tpu.memory_space<vmem>>, vector<16xf32>,
      %add3A_1038 = arith.constant 16 : i32
      %add3A_1039 = arith.addi %squeeze3A_1034, %add3A_1038 : i32
      %get3A_1040 = arith.index_cast %add3A_1032 : i32 to index
      %get3A_1041 = arith.index_cast %add3A_1039 : i32 to index
      %get3A_1042 = tpu.vector_load %arg7[%get3A_1040, %get3A_1041] {strides = array<i32>} : memref<512x128xf32, #tpu.memory_space<vmem>>, vector<16xf32>,
      %broadcast_in_dim3A_1043 = vector.broadcast %add3A_1032 : i32 to vector<16xi32>
      tpu.vector_store_idx %arg8[%iota3A, %broadcast_in_dim3A_1043], %get3A_1037 : memref<32x513xf32, #tpu.memory_space<vmem>>[vector<16xi32>, vector<16xi32>], vector<16xf32>,
      tpu.vector_store_idx %arg8[%add3A_942, %broadcast_in_dim3A_1043], %get3A_1042 : memref<32x513xf32, #tpu.memory_space<vmem>>[vector<16xi32>, vector<16xi32>], vector<16xf32>,
      %mul3A_1044 = arith.constant 16 : i32
      %mul3A_1045 = arith.muli %mul3A_1044, %scan3A_948 : i32
      %add3A_1046 = arith.constant 5 : i32
      %add3A_1047 = arith.addi %mul3A_1045, %add3A_1046 : i32
      %slice3A_1048 = vector.extract_strided_slice %select_n3A_970 {offsets = [5], sizes = [1], strides = [1]} : vector<16xi32> to vector<1xi32>
      %squeeze3A_1049 = vector.extract %slice3A_1048[0] : i32 from vector<1xi32>
      %get3A_1050 = arith.index_cast %add3A_1047 : i32 to index
      %get3A_1051 = arith.index_cast %squeeze3A_1049 : i32 to index
      %get3A_1052 = tpu.vector_load %arg7[%get3A_1050, %get3A_1051] {strides = array<i32>} : memref<512x128xf32, #tpu.memory_space<vmem>>, vector<16xf32>,
      %add3A_1053 = arith.constant 16 : i32
      %add3A_1054 = arith.addi %squeeze3A_1049, %add3A_1053 : i32
      %get3A_1055 = arith.index_cast %add3A_1047 : i32 to index
      %get3A_1056 = arith.index_cast %add3A_1054 : i32 to index
      %get3A_1057 = tpu.vector_load %arg7[%get3A_1055, %get3A_1056] {strides = array<i32>} : memref<512x128xf32, #tpu.memory_space<vmem>>, vector<16xf32>,
      %broadcast_in_dim3A_1058 = vector.broadcast %add3A_1047 : i32 to vector<16xi32>
      tpu.vector_store_idx %arg8[%iota3A, %broadcast_in_dim3A_1058], %get3A_1052 : memref<32x513xf32, #tpu.memory_space<vmem>>[vector<16xi32>, vector<16xi32>], vector<16xf32>,
      tpu.vector_store_idx %arg8[%add3A_942, %broadcast_in_dim3A_1058], %get3A_1057 : memref<32x513xf32, #tpu.memory_space<vmem>>[vector<16xi32>, vector<16xi32>], vector<16xf32>,
      %mul3A_1059 = arith.constant 16 : i32
      %mul3A_1060 = arith.muli %mul3A_1059, %scan3A_948 : i32
      %add3A_1061 = arith.constant 6 : i32
      %add3A_1062 = arith.addi %mul3A_1060, %add3A_1061 : i32
      %slice3A_1063 = vector.extract_strided_slice %select_n3A_970 {offsets = [6], sizes = [1], strides = [1]} : vector<16xi32> to vector<1xi32>
      %squeeze3A_1064 = vector.extract %slice3A_1063[0] : i32 from vector<1xi32>
      %get3A_1065 = arith.index_cast %add3A_1062 : i32 to index
      %get3A_1066 = arith.index_cast %squeeze3A_1064 : i32 to index
      %get3A_1067 = tpu.vector_load %arg7[%get3A_1065, %get3A_1066] {strides = array<i32>} : memref<512x128xf32, #tpu.memory_space<vmem>>, vector<16xf32>,
      %add3A_1068 = arith.constant 16 : i32
      %add3A_1069 = arith.addi %squeeze3A_1064, %add3A_1068 : i32
      %get3A_1070 = arith.index_cast %add3A_1062 : i32 to index
      %get3A_1071 = arith.index_cast %add3A_1069 : i32 to index
      %get3A_1072 = tpu.vector_load %arg7[%get3A_1070, %get3A_1071] {strides = array<i32>} : memref<512x128xf32, #tpu.memory_space<vmem>>, vector<16xf32>,
      %broadcast_in_dim3A_1073 = vector.broadcast %add3A_1062 : i32 to vector<16xi32>
      tpu.vector_store_idx %arg8[%iota3A, %broadcast_in_dim3A_1073], %get3A_1067 : memref<32x513xf32, #tpu.memory_space<vmem>>[vector<16xi32>, vector<16xi32>], vector<16xf32>,
      tpu.vector_store_idx %arg8[%add3A_942, %broadcast_in_dim3A_1073], %get3A_1072 : memref<32x513xf32, #tpu.memory_space<vmem>>[vector<16xi32>, vector<16xi32>], vector<16xf32>,
      %mul3A_1074 = arith.constant 16 : i32
      %mul3A_1075 = arith.muli %mul3A_1074, %scan3A_948 : i32
      %add3A_1076 = arith.constant 7 : i32
      %add3A_1077 = arith.addi %mul3A_1075, %add3A_1076 : i32
      %slice3A_1078 = vector.extract_strided_slice %select_n3A_970 {offsets = [7], sizes = [1], strides = [1]} : vector<16xi32> to vector<1xi32>
      %squeeze3A_1079 = vector.extract %slice3A_1078[0] : i32 from vector<1xi32>
      %get3A_1080 = arith.index_cast %add3A_1077 : i32 to index
      %get3A_1081 = arith.index_cast %squeeze3A_1079 : i32 to index
      %get3A_1082 = tpu.vector_load %arg7[%get3A_1080, %get3A_1081] {strides = array<i32>} : memref<512x128xf32, #tpu.memory_space<vmem>>, vector<16xf32>,
      %add3A_1083 = arith.constant 16 : i32
      %add3A_1084 = arith.addi %squeeze3A_1079, %add3A_1083 : i32
      %get3A_1085 = arith.index_cast %add3A_1077 : i32 to index
      %get3A_1086 = arith.index_cast %add3A_1084 : i32 to index
      %get3A_1087 = tpu.vector_load %arg7[%get3A_1085, %get3A_1086] {strides = array<i32>} : memref<512x128xf32, #tpu.memory_space<vmem>>, vector<16xf32>,
      %broadcast_in_dim3A_1088 = vector.broadcast %add3A_1077 : i32 to vector<16xi32>
      tpu.vector_store_idx %arg8[%iota3A, %broadcast_in_dim3A_1088], %get3A_1082 : memref<32x513xf32, #tpu.memory_space<vmem>>[vector<16xi32>, vector<16xi32>], vector<16xf32>,
      tpu.vector_store_idx %arg8[%add3A_942, %broadcast_in_dim3A_1088], %get3A_1087 : memref<32x513xf32, #tpu.memory_space<vmem>>[vector<16xi32>, vector<16xi32>], vector<16xf32>,
      %mul3A_1089 = arith.constant 16 : i32
      %mul3A_1090 = arith.muli %mul3A_1089, %scan3A_948 : i32
      %add3A_1091 = arith.constant 8 : i32
      %add3A_1092 = arith.addi %mul3A_1090, %add3A_1091 : i32
      %slice3A_1093 = vector.extract_strided_slice %select_n3A_970 {offsets = [8], sizes = [1], strides = [1]} : vector<16xi32> to vector<1xi32>
      %squeeze3A_1094 = vector.extract %slice3A_1093[0] : i32 from vector<1xi32>
      %get3A_1095 = arith.index_cast %add3A_1092 : i32 to index
      %get3A_1096 = arith.index_cast %squeeze3A_1094 : i32 to index
      %get3A_1097 = tpu.vector_load %arg7[%get3A_1095, %get3A_1096] {strides = array<i32>} : memref<512x128xf32, #tpu.memory_space<vmem>>, vector<16xf32>,
      %add3A_1098 = arith.constant 16 : i32
      %add3A_1099 = arith.addi %squeeze3A_1094, %add3A_1098 : i32
      %get3A_1100 = arith.index_cast %add3A_1092 : i32 to index
      %get3A_1101 = arith.index_cast %add3A_1099 : i32 to index
      %get3A_1102 = tpu.vector_load %arg7[%get3A_1100, %get3A_1101] {strides = array<i32>} : memref<512x128xf32, #tpu.memory_space<vmem>>, vector<16xf32>,
      %broadcast_in_dim3A_1103 = vector.broadcast %add3A_1092 : i32 to vector<16xi32>
      tpu.vector_store_idx %arg8[%iota3A, %broadcast_in_dim3A_1103], %get3A_1097 : memref<32x513xf32, #tpu.memory_space<vmem>>[vector<16xi32>, vector<16xi32>], vector<16xf32>,
      tpu.vector_store_idx %arg8[%add3A_942, %broadcast_in_dim3A_1103], %get3A_1102 : memref<32x513xf32, #tpu.memory_space<vmem>>[vector<16xi32>, vector<16xi32>], vector<16xf32>,
      %mul3A_1104 = arith.constant 16 : i32
      %mul3A_1105 = arith.muli %mul3A_1104, %scan3A_948 : i32
      %add3A_1106 = arith.constant 9 : i32
      %add3A_1107 = arith.addi %mul3A_1105, %add3A_1106 : i32
      %slice3A_1108 = vector.extract_strided_slice %select_n3A_970 {offsets = [9], sizes = [1], strides = [1]} : vector<16xi32> to vector<1xi32>
      %squeeze3A_1109 = vector.extract %slice3A_1108[0] : i32 from vector<1xi32>
      %get3A_1110 = arith.index_cast %add3A_1107 : i32 to index
      %get3A_1111 = arith.index_cast %squeeze3A_1109 : i32 to index
      %get3A_1112 = tpu.vector_load %arg7[%get3A_1110, %get3A_1111] {strides = array<i32>} : memref<512x128xf32, #tpu.memory_space<vmem>>, vector<16xf32>,
      %add3A_1113 = arith.constant 16 : i32
      %add3A_1114 = arith.addi %squeeze3A_1109, %add3A_1113 : i32
      %get3A_1115 = arith.index_cast %add3A_1107 : i32 to index
      %get3A_1116 = arith.index_cast %add3A_1114 : i32 to index
      %get3A_1117 = tpu.vector_load %arg7[%get3A_1115, %get3A_1116] {strides = array<i32>} : memref<512x128xf32, #tpu.memory_space<vmem>>, vector<16xf32>,
      %broadcast_in_dim3A_1118 = vector.broadcast %add3A_1107 : i32 to vector<16xi32>
      tpu.vector_store_idx %arg8[%iota3A, %broadcast_in_dim3A_1118], %get3A_1112 : memref<32x513xf32, #tpu.memory_space<vmem>>[vector<16xi32>, vector<16xi32>], vector<16xf32>,
      tpu.vector_store_idx %arg8[%add3A_942, %broadcast_in_dim3A_1118], %get3A_1117 : memref<32x513xf32, #tpu.memory_space<vmem>>[vector<16xi32>, vector<16xi32>], vector<16xf32>,
      %mul3A_1119 = arith.constant 16 : i32
      %mul3A_1120 = arith.muli %mul3A_1119, %scan3A_948 : i32
      %add3A_1121 = arith.constant 10 : i32
      %add3A_1122 = arith.addi %mul3A_1120, %add3A_1121 : i32
      %slice3A_1123 = vector.extract_strided_slice %select_n3A_970 {offsets = [10], sizes = [1], strides = [1]} : vector<16xi32> to vector<1xi32>
      %squeeze3A_1124 = vector.extract %slice3A_1123[0] : i32 from vector<1xi32>
      %get3A_1125 = arith.index_cast %add3A_1122 : i32 to index
      %get3A_1126 = arith.index_cast %squeeze3A_1124 : i32 to index
      %get3A_1127 = tpu.vector_load %arg7[%get3A_1125, %get3A_1126] {strides = array<i32>} : memref<512x128xf32, #tpu.memory_space<vmem>>, vector<16xf32>,
      %add3A_1128 = arith.constant 16 : i32
      %add3A_1129 = arith.addi %squeeze3A_1124, %add3A_1128 : i32
      %get3A_1130 = arith.index_cast %add3A_1122 : i32 to index
      %get3A_1131 = arith.index_cast %add3A_1129 : i32 to index
      %get3A_1132 = tpu.vector_load %arg7[%get3A_1130, %get3A_1131] {strides = array<i32>} : memref<512x128xf32, #tpu.memory_space<vmem>>, vector<16xf32>,
      %broadcast_in_dim3A_1133 = vector.broadcast %add3A_1122 : i32 to vector<16xi32>
      tpu.vector_store_idx %arg8[%iota3A, %broadcast_in_dim3A_1133], %get3A_1127 : memref<32x513xf32, #tpu.memory_space<vmem>>[vector<16xi32>, vector<16xi32>], vector<16xf32>,
      tpu.vector_store_idx %arg8[%add3A_942, %broadcast_in_dim3A_1133], %get3A_1132 : memref<32x513xf32, #tpu.memory_space<vmem>>[vector<16xi32>, vector<16xi32>], vector<16xf32>,
      %mul3A_1134 = arith.constant 16 : i32
      %mul3A_1135 = arith.muli %mul3A_1134, %scan3A_948 : i32
      %add3A_1136 = arith.constant 11 : i32
      %add3A_1137 = arith.addi %mul3A_1135, %add3A_1136 : i32
      %slice3A_1138 = vector.extract_strided_slice %select_n3A_970 {offsets = [11], sizes = [1], strides = [1]} : vector<16xi32> to vector<1xi32>
      %squeeze3A_1139 = vector.extract %slice3A_1138[0] : i32 from vector<1xi32>
      %get3A_1140 = arith.index_cast %add3A_1137 : i32 to index
      %get3A_1141 = arith.index_cast %squeeze3A_1139 : i32 to index
      %get3A_1142 = tpu.vector_load %arg7[%get3A_1140, %get3A_1141] {strides = array<i32>} : memref<512x128xf32, #tpu.memory_space<vmem>>, vector<16xf32>,
      %add3A_1143 = arith.constant 16 : i32
      %add3A_1144 = arith.addi %squeeze3A_1139, %add3A_1143 : i32
      %get3A_1145 = arith.index_cast %add3A_1137 : i32 to index
      %get3A_1146 = arith.index_cast %add3A_1144 : i32 to index
      %get3A_1147 = tpu.vector_load %arg7[%get3A_1145, %get3A_1146] {strides = array<i32>} : memref<512x128xf32, #tpu.memory_space<vmem>>, vector<16xf32>,
      %broadcast_in_dim3A_1148 = vector.broadcast %add3A_1137 : i32 to vector<16xi32>
      tpu.vector_store_idx %arg8[%iota3A, %broadcast_in_dim3A_1148], %get3A_1142 : memref<32x513xf32, #tpu.memory_space<vmem>>[vector<16xi32>, vector<16xi32>], vector<16xf32>,
      tpu.vector_store_idx %arg8[%add3A_942, %broadcast_in_dim3A_1148], %get3A_1147 : memref<32x513xf32, #tpu.memory_space<vmem>>[vector<16xi32>, vector<16xi32>], vector<16xf32>,
      %mul3A_1149 = arith.constant 16 : i32
      %mul3A_1150 = arith.muli %mul3A_1149, %scan3A_948 : i32
      %add3A_1151 = arith.constant 12 : i32
      %add3A_1152 = arith.addi %mul3A_1150, %add3A_1151 : i32
      %slice3A_1153 = vector.extract_strided_slice %select_n3A_970 {offsets = [12], sizes = [1], strides = [1]} : vector<16xi32> to vector<1xi32>
      %squeeze3A_1154 = vector.extract %slice3A_1153[0] : i32 from vector<1xi32>
      %get3A_1155 = arith.index_cast %add3A_1152 : i32 to index
      %get3A_1156 = arith.index_cast %squeeze3A_1154 : i32 to index
      %get3A_1157 = tpu.vector_load %arg7[%get3A_1155, %get3A_1156] {strides = array<i32>} : memref<512x128xf32, #tpu.memory_space<vmem>>, vector<16xf32>,
      %add3A_1158 = arith.constant 16 : i32
      %add3A_1159 = arith.addi %squeeze3A_1154, %add3A_1158 : i32
      %get3A_1160 = arith.index_cast %add3A_1152 : i32 to index
      %get3A_1161 = arith.index_cast %add3A_1159 : i32 to index
      %get3A_1162 = tpu.vector_load %arg7[%get3A_1160, %get3A_1161] {strides = array<i32>} : memref<512x128xf32, #tpu.memory_space<vmem>>, vector<16xf32>,
      %broadcast_in_dim3A_1163 = vector.broadcast %add3A_1152 : i32 to vector<16xi32>
      tpu.vector_store_idx %arg8[%iota3A, %broadcast_in_dim3A_1163], %get3A_1157 : memref<32x513xf32, #tpu.memory_space<vmem>>[vector<16xi32>, vector<16xi32>], vector<16xf32>,
      tpu.vector_store_idx %arg8[%add3A_942, %broadcast_in_dim3A_1163], %get3A_1162 : memref<32x513xf32, #tpu.memory_space<vmem>>[vector<16xi32>, vector<16xi32>], vector<16xf32>,
      %mul3A_1164 = arith.constant 16 : i32
      %mul3A_1165 = arith.muli %mul3A_1164, %scan3A_948 : i32
      %add3A_1166 = arith.constant 13 : i32
      %add3A_1167 = arith.addi %mul3A_1165, %add3A_1166 : i32
      %slice3A_1168 = vector.extract_strided_slice %select_n3A_970 {offsets = [13], sizes = [1], strides = [1]} : vector<16xi32> to vector<1xi32>
      %squeeze3A_1169 = vector.extract %slice3A_1168[0] : i32 from vector<1xi32>
      %get3A_1170 = arith.index_cast %add3A_1167 : i32 to index
      %get3A_1171 = arith.index_cast %squeeze3A_1169 : i32 to index
      %get3A_1172 = tpu.vector_load %arg7[%get3A_1170, %get3A_1171] {strides = array<i32>} : memref<512x128xf32, #tpu.memory_space<vmem>>, vector<16xf32>,
      %add3A_1173 = arith.constant 16 : i32
      %add3A_1174 = arith.addi %squeeze3A_1169, %add3A_1173 : i32
      %get3A_1175 = arith.index_cast %add3A_1167 : i32 to index
      %get3A_1176 = arith.index_cast %add3A_1174 : i32 to index
      %get3A_1177 = tpu.vector_load %arg7[%get3A_1175, %get3A_1176] {strides = array<i32>} : memref<512x128xf32, #tpu.memory_space<vmem>>, vector<16xf32>,
      %broadcast_in_dim3A_1178 = vector.broadcast %add3A_1167 : i32 to vector<16xi32>
      tpu.vector_store_idx %arg8[%iota3A, %broadcast_in_dim3A_1178], %get3A_1172 : memref<32x513xf32, #tpu.memory_space<vmem>>[vector<16xi32>, vector<16xi32>], vector<16xf32>,
      tpu.vector_store_idx %arg8[%add3A_942, %broadcast_in_dim3A_1178], %get3A_1177 : memref<32x513xf32, #tpu.memory_space<vmem>>[vector<16xi32>, vector<16xi32>], vector<16xf32>,
      %mul3A_1179 = arith.constant 16 : i32
      %mul3A_1180 = arith.muli %mul3A_1179, %scan3A_948 : i32
      %add3A_1181 = arith.constant 14 : i32
      %add3A_1182 = arith.addi %mul3A_1180, %add3A_1181 : i32
      %slice3A_1183 = vector.extract_strided_slice %select_n3A_970 {offsets = [14], sizes = [1], strides = [1]} : vector<16xi32> to vector<1xi32>
      %squeeze3A_1184 = vector.extract %slice3A_1183[0] : i32 from vector<1xi32>
      %get3A_1185 = arith.index_cast %add3A_1182 : i32 to index
      %get3A_1186 = arith.index_cast %squeeze3A_1184 : i32 to index
      %get3A_1187 = tpu.vector_load %arg7[%get3A_1185, %get3A_1186] {strides = array<i32>} : memref<512x128xf32, #tpu.memory_space<vmem>>, vector<16xf32>,
      %add3A_1188 = arith.constant 16 : i32
      %add3A_1189 = arith.addi %squeeze3A_1184, %add3A_1188 : i32
      %get3A_1190 = arith.index_cast %add3A_1182 : i32 to index
      %get3A_1191 = arith.index_cast %add3A_1189 : i32 to index
      %get3A_1192 = tpu.vector_load %arg7[%get3A_1190, %get3A_1191] {strides = array<i32>} : memref<512x128xf32, #tpu.memory_space<vmem>>, vector<16xf32>,
      %broadcast_in_dim3A_1193 = vector.broadcast %add3A_1182 : i32 to vector<16xi32>
      tpu.vector_store_idx %arg8[%iota3A, %broadcast_in_dim3A_1193], %get3A_1187 : memref<32x513xf32, #tpu.memory_space<vmem>>[vector<16xi32>, vector<16xi32>], vector<16xf32>,
      tpu.vector_store_idx %arg8[%add3A_942, %broadcast_in_dim3A_1193], %get3A_1192 : memref<32x513xf32, #tpu.memory_space<vmem>>[vector<16xi32>, vector<16xi32>], vector<16xf32>,
      %mul3A_1194 = arith.constant 16 : i32
      %mul3A_1195 = arith.muli %mul3A_1194, %scan3A_948 : i32
      %add3A_1196 = arith.constant 15 : i32
      %add3A_1197 = arith.addi %mul3A_1195, %add3A_1196 : i32
      %slice3A_1198 = vector.extract_strided_slice %select_n3A_970 {offsets = [15], sizes = [1], strides = [1]} : vector<16xi32> to vector<1xi32>
      %squeeze3A_1199 = vector.extract %slice3A_1198[0] : i32 from vector<1xi32>
      %get3A_1200 = arith.index_cast %add3A_1197 : i32 to index
      %get3A_1201 = arith.index_cast %squeeze3A_1199 : i32 to index
      %get3A_1202 = tpu.vector_load %arg7[%get3A_1200, %get3A_1201] {strides = array<i32>} : memref<512x128xf32, #tpu.memory_space<vmem>>, vector<16xf32>,
      %add3A_1203 = arith.constant 16 : i32
      %add3A_1204 = arith.addi %squeeze3A_1199, %add3A_1203 : i32
      %get3A_1205 = arith.index_cast %add3A_1197 : i32 to index
      %get3A_1206 = arith.index_cast %add3A_1204 : i32 to index
      %get3A_1207 = tpu.vector_load %arg7[%get3A_1205, %get3A_1206] {strides = array<i32>} : memref<512x128xf32, #tpu.memory_space<vmem>>, vector<16xf32>,
      %broadcast_in_dim3A_1208 = vector.broadcast %add3A_1197 : i32 to vector<16xi32>
      tpu.vector_store_idx %arg8[%iota3A, %broadcast_in_dim3A_1208], %get3A_1202 : memref<32x513xf32, #tpu.memory_space<vmem>>[vector<16xi32>, vector<16xi32>], vector<16xf32>,
      tpu.vector_store_idx %arg8[%add3A_942, %broadcast_in_dim3A_1208], %get3A_1207 : memref<32x513xf32, #tpu.memory_space<vmem>>[vector<16xi32>, vector<16xi32>], vector<16xf32>,
    }
    %scan3A_947 = arith.constant 32 : i32
    "tpu.region"() ({
      %run_scoped3A = tpu.sem_alloc : memref<!tpu.dma_semaphore, #tpu.memory_space<semaphore_mem>>
      %dma_start3A_948 = arith.constant 0 : i32
      %dma_start3A_949 = arith.constant 0 : i32
      %dma_start3A_950 = tpu.memref_slice %arg8[%dma_start3A_948, %dma_start3A_949] : memref<32x513xf32, #tpu.memory_space<vmem>> -> memref<32x512xf32, #tpu.memory_space<vmem>>
      %dma_start3A_951 = arith.constant 0 : i32
      %dma_start3A_952 = tpu.memref_slice %arg4[%dma_start3A_951, %mul3A_2] : memref<32x16384xf32, #tpu.memory_space<hbm>> -> memref<32x512xf32, #tpu.memory_space<hbm>>
      %dma_start3A_953 = arith.constant 0 : i32
      %dma_start3A_954 = tpu.memref_slice %arg4[%dma_start3A_953, %mul3A_2] : memref<32x16384xf32, #tpu.memory_space<hbm>> -> memref<32x512xf32, #tpu.memory_space<hbm>>
      %dma_start3A_955 = arith.constant 0 : i32
      %dma_start3A_956 = arith.constant 0 : i32
      %dma_start3A_957 = tpu.memref_slice %arg8[%dma_start3A_955, %dma_start3A_956] : memref<32x513xf32, #tpu.memory_space<vmem>> -> memref<32x512xf32, #tpu.memory_space<vmem>>
      tpu.enqueue_dma source(%dma_start3A_957 : memref<32x512xf32, #tpu.memory_space<vmem>>) target(%dma_start3A_954 : memref<32x512xf32, #tpu.memory_space<hbm>>) target_semaphore(%run_scoped3A : memref<!tpu.dma_semaphore, #tpu.memory_space<semaphore_mem>>)
      %dma_wait3A_958 = arith.constant 0 : i32
      %dma_wait3A_959 = arith.constant 0 : i32
      %dma_wait3A_960 = tpu.memref_slice %arg8[%dma_wait3A_958, %dma_wait3A_959] : memref<32x513xf32, #tpu.memory_space<vmem>> -> memref<32x512xf32, #tpu.memory_space<vmem>>
      %dma_wait3A_961 = arith.constant 0 : i32
      %dma_wait3A_962 = tpu.memref_slice %arg4[%dma_wait3A_961, %mul3A_2] : memref<32x16384xf32, #tpu.memory_space<hbm>> -> memref<32x512xf32, #tpu.memory_space<hbm>>
      %dma_wait3A_963 = arith.constant 0 : i32
      %dma_wait3A_964 = tpu.memref_slice %arg4[%dma_wait3A_963, %mul3A_2] : memref<32x16384xf32, #tpu.memory_space<hbm>> -> memref<32x512xf32, #tpu.memory_space<hbm>>
      %dma_wait3A_965 = arith.constant 0 : i32
      %dma_wait3A_966 = arith.constant 0 : i32
      %dma_wait3A_967 = tpu.memref_slice %arg8[%dma_wait3A_965, %dma_wait3A_966] : memref<32x513xf32, #tpu.memory_space<vmem>> -> memref<32x512xf32, #tpu.memory_space<vmem>>
      tpu.wait_dma2 semaphore(%run_scoped3A : memref<!tpu.dma_semaphore, #tpu.memory_space<semaphore_mem>>) src(%dma_wait3A_967 : memref<32x512xf32, #tpu.memory_space<vmem>>) dst(%dma_wait3A_964 : memref<32x512xf32, #tpu.memory_space<hbm>>)
      tpu.yield
    }) : () -> ()
    return
  }
}

module attributes {stable_mosaic.version = 14 : i64} {
  func.func @_retile_body(%arg0: i32, %arg1: memref<32x3584xf32, #tpu.memory_space<vmem>>, %arg2: memref<32x3584xf32, #tpu.memory_space<vmem>>, %arg3: memref<32x3584xf32, #tpu.memory_space<vmem>>, %arg4: memref<32x3584xf32, #tpu.memory_space<vmem>>, %arg5: memref<3584x128xf32, #tpu.memory_space<vmem>>) attributes {dimension_semantics = [#tpu.dimension_semantics<arbitrary>], iteration_bounds = array<i64: 7>, scalar_prefetch = 0 : i64, scratch_operands = 0 : i64, tpu.core_type = #tpu.core_type<tc>, window_params = [{transform_indices = @transform_0, window_bounds = array<i64: 32, 3584>}, {transform_indices = @transform_1, window_bounds = array<i64: 32, 3584>}, {transform_indices = @transform_2, window_bounds = array<i64: 32, 3584>}, {transform_indices = @transform_3, window_bounds = array<i64: 32, 3584>}, {transform_indices = @transform_4, window_bounds = array<i64: 3584, 128>}]} {
    %get3A = arith.constant 0 : index
    %get3A_0 = arith.constant 0 : index
    %get3A_1 = vector.load %arg1[%get3A, %get3A_0] : memref<32x3584xf32, #tpu.memory_space<vmem>>, vector<32x3584xf32>
    %transpose3A = tpu.transpose %get3A_1, [1, 0] : vector<32x3584xf32> -> vector<3584x32xf32>
    %get3A_2 = arith.constant 0 : index
    %get3A_3 = arith.constant 0 : index
    %get3A_4 = vector.load %arg2[%get3A_2, %get3A_3] : memref<32x3584xf32, #tpu.memory_space<vmem>>, vector<32x3584xf32>
    %transpose3A_5 = tpu.transpose %get3A_4, [1, 0] : vector<32x3584xf32> -> vector<3584x32xf32>
    %get3A_6 = arith.constant 0 : index
    %get3A_7 = arith.constant 0 : index
    %get3A_8 = vector.load %arg3[%get3A_6, %get3A_7] : memref<32x3584xf32, #tpu.memory_space<vmem>>, vector<32x3584xf32>
    %transpose3A_9 = tpu.transpose %get3A_8, [1, 0] : vector<32x3584xf32> -> vector<3584x32xf32>
    %get3A_10 = arith.constant 0 : index
    %get3A_11 = arith.constant 0 : index
    %get3A_12 = vector.load %arg4[%get3A_10, %get3A_11] : memref<32x3584xf32, #tpu.memory_space<vmem>>, vector<32x3584xf32>
    %transpose3A_13 = tpu.transpose %get3A_12, [1, 0] : vector<32x3584xf32> -> vector<3584x32xf32>
    %concatenate3A = tpu.concatenate %transpose3A, %transpose3A_5, %transpose3A_9, %transpose3A_13 in 1 : vector<3584x32xf32>, vector<3584x32xf32>, vector<3584x32xf32>, vector<3584x32xf32> -> vector<3584x128xf32>
    %swap3A = arith.constant 0 : index
    %swap3A_14 = arith.constant 0 : index
    %swap3A_15 = vector.load %arg5[%swap3A, %swap3A_14] : memref<3584x128xf32, #tpu.memory_space<vmem>>, vector<3584x128xf32>
    tpu.vector_store %arg5[%swap3A, %swap3A_14], %concatenate3A {strides = array<i32>} : memref<3584x128xf32, #tpu.memory_space<vmem>>, vector<3584x128xf32>,
    return
  }
  func.func @transform_0(%arg0: i32) -> (i32, i32) {
    %add3A = arith.constant 0 : i32
    %add3A_0 = arith.addi %add3A, %arg0 : i32
    %c0_i32 = arith.constant 0 : i32
    %c0_i32_1 = arith.constant 0 : i32
    return %c0_i32, %add3A_0 : i32, i32
  }
  func.func @transform_1(%arg0: i32) -> (i32, i32) {
    %add3A = arith.constant 7 : i32
    %add3A_0 = arith.addi %add3A, %arg0 : i32
    %c0_i32 = arith.constant 0 : i32
    %c0_i32_1 = arith.constant 0 : i32
    return %c0_i32, %add3A_0 : i32, i32
  }
  func.func @transform_2(%arg0: i32) -> (i32, i32) {
    %add3A = arith.constant 14 : i32
    %add3A_0 = arith.addi %add3A, %arg0 : i32
    %c0_i32 = arith.constant 0 : i32
    %c0_i32_1 = arith.constant 0 : i32
    return %c0_i32, %add3A_0 : i32, i32
  }
  func.func @transform_3(%arg0: i32) -> (i32, i32) {
    %add3A = arith.constant 21 : i32
    %add3A_0 = arith.addi %add3A, %arg0 : i32
    %c0_i32 = arith.constant 0 : i32
    %c0_i32_1 = arith.constant 0 : i32
    return %c0_i32, %add3A_0 : i32, i32
  }
  func.func @transform_4(%arg0: i32) -> (i32, i32) {
    %c0_i32 = arith.constant 0 : i32
    %c0_i32_0 = arith.constant 0 : i32
    return %arg0, %c0_i32 : i32, i32
  }
}

</mosaic_0001>

<sc_bundles>
// kernel: kernel.4.cloned.1.call-start
scs
__scs_entry_jumppad:
0x0: {  	(pc) =	sbr.rel $0x88, $3  }
0x1: {  	(tag) =	ssettag $0x0;
	lr =	simm.s32 $0x1  }
0x2: {  	[smem:$0x3F9F] =	sst lr;
	_ =	strace $0xD0000000  }
0x3: {  	_ = 	snop  }
0x4: {  	_ = 	snop  }
0x5: {  	_ = 	snop  }
0x6: {  	_ = 	snop  }
0x7: {  	_ = 	snop  }
__scs_overlays_trampoline_lowered:
0x8: {  	[smem:$0x3FAE] =	sst s0  }
0x9: {  	[smem:$0x3FAF] =	sst s1  }
0xa: {  	[smem:$0x3FB0] =	sst s2  }
0xb: {  	[smem:$0x3FB1] =	sst s3  }
0xc: {  	[smem:$0x3FB2] =	sst s4  }
0xd: {  	[smem:$0x3FB3] =	sst s5  }
0xe: {  	[smem:$0x3FB4] =	sst s6  }
0xf: {  	[smem:$0x3FB5] =	sst s7  }
0x10: {  	[smem:$0x3FB6] =	sst s8  }
0x11: {  	[smem:$0x3FB7] =	sst s9;
	s0 =	simm.s32 @!p0 $0x0  }
0x12: {  	s1 =	sld [smem:$0x3F9D];
	s0 =	simm.s32 @p0 $0x1  }
0x13: {  	[smem:$0x3FB8] =	sst s0;
	s0 =	simm.s32 @!p1 $0x0  }
0x14: {  	s2 =	sld [smem:$0x3F9C];
	s0 =	simm.s32 @p1 $0x1  }
0x15: {  	[smem:$0x3FB9] =	sst s0;
	s0 =	simm.s32 @!p2 $0x0  }
0x16: {  	s3 =	sld [smem:$0x3FDB];
	s0 =	simm.s32 @p2 $0x1  }
0x17: {  	s4 =	simm.s32 $0x1BF5;
	[smem:$0x3FBB] =	sst s0  }
0x18: {  	s0 =	sld [smem:$0x3F9E];
	_ =	swait.ge [sflag:s4], $0x0  }
0x19: {  	s7 =	sld [smem:$0x3F9F]  }
0x1a: {  	s8 =	sadd.s32 $0xFFFFE003, lr  }
0x1b: {  	s9 =	sadd.s32 $0xFFFFFEF7, lr;
	s5 =	simm.s32 $0xFFFFFFFF;
	p2 =	slt.u32 s8, $0xFFFFF086  }
0x1c: {  	p1 =	slt.u32 s9, $0xF7A;
	s5 =	simm.s32 @!p2 $0x0  }
0x1d: {  	s5 =	simm.s32 @p1 $0x1;
	p0 =	seq.s32 s7, s2  }
0x1e: {  	s7 =	smul.u32 @!p0 $0xF7A, s2;
	p2 =	seq.s32 @!p0 s5, $0x0  }
0x1f: {  	s9 =	smul.u32 $0xF7A, s1;
	s8 =	simm.s32 @!p0 $0x1BF5;
	p2 =	por !p2, p0  }
0x20: {  	[sflag:s8] =	ssyncset.s32 @!p0 $0xFFFFF086;
	s6 =	sadd.s32 @!p0 s3, s7;
	s7 =	simm.s32 @!p0 $0x108  }
0x21: {  	s3 =	sadd.s32 s3, s9;
	s6 =	sadd.s32 @!p0 $0x88, s6;
	s7 =	simm.s32 @p2 $0x1082  }
0x22: {  	[simem:s7], [sflag:s8] =	dma.local @!p0 [hbm:s6], $0xF7A  }
0x23: {  	s9 =	sor.u32 $0xD0000000, s2;
	s6 =	simm.s32 $0x108;
	_ =	swait.ge @!p0 [sflag:s8], $0x0  }
0x24: {  	s3 =	sadd.s32 $0x88, s3;
	s6 =	simm.s32 @!p1 $0x1082;
	[sflag:s4] =	ssyncset.s32 $0xFFFFF086  }
0x25: {  	[simem:s6], [sflag:s4] =	dma.local [hbm:s3], $0xF7A  }
0x26: {  	[smem:$0x3F9F] =	sst s1;
	(tag) =	ssettag s2;
	_ =	strace s9  }
0x27: {  	s1 =	sld [smem:$0x3FAF]  }
0x28: {  	s2 =	sld [smem:$0x3FB0]  }
0x29: {  	s4 =	sld [smem:$0x3FB2]  }
0x2a: {  	p0 =	seq.s32 s5, $0x0;
	s5 =	sld [smem:$0x3FB3]  }
0x2b: {  	s6 =	sld [smem:$0x3FB4]  }
0x2c: {  	s7 =	sld [smem:$0x3FB5]  }
0x2d: {  	s3 =	simm.s32 $0x108;
	s8 =	sld [smem:$0x3FB6]  }
0x2e: {  	s3 =	simm.s32 @!p0 $0x1082;
	s9 =	sld [smem:$0x3FB7]  }
0x2f: {  	lr =	sadd.s32 s0, s3;
	s0 =	sld [smem:$0x3FAE]  }
0x30: {  	s3 =	sld [smem:$0x3FB1]  }
0x31: {  	[smem:$0x3FBA] =	sst s10  }
0x32: {  	s10 =	sld [smem:$0x3FB8];
	_ =	sdelay $0x3  }
0x33: {  	p0 =	seq.s32 s10, $0x1;
	s10 =	sld [smem:$0x3FBA];
	_ =	sdelay $0x3  }
0x34: {  	[smem:$0x3FBA] =	sst s10  }
0x35: {  	s10 =	sld [smem:$0x3FB9];
	_ =	sdelay $0x3  }
0x36: {  	p1 =	seq.s32 s10, $0x1;
	s10 =	sld [smem:$0x3FBA];
	_ =	sdelay $0x3  }
0x37: {  	[smem:$0x3FBA] =	sst s10  }
0x38: {  	s10 =	sld [smem:$0x3FBB]  }
0x39: {  	_ = 	snop;
	(pc) =	sbr.ind lr, $3  }
0x3a: {  	_ = 	snop  }
0x3b: {  	_ = 	snop  }
0x3c: {  	p2 =	seq.s32 s10, $0x1;
	s10 =	sld [smem:$0x3FBA]  }
0x3d: {  	_ =	shalt  }
0x3e: {  	_ =	shalt  }
0x3f: {  	_ =	shalt  }
0x40: {  	_ =	shalt  }
0x41: {  	_ =	shalt  }
0x42: {  	_ =	shalt  }
0x43: {  	_ =	shalt  }
0x44: {  	_ =	shalt  }
0x45: {  	_ =	shalt  }
0x46: {  	_ =	shalt  }
0x47: {  	_ =	shalt  }
0x48: {  	_ =	shalt  }
0x49: {  	_ =	shalt  }
0x4a: {  	_ =	shalt  }
0x4b: {  	_ =	shalt  }
0x4c: {  	_ =	shalt  }
0x4d: {  	_ =	shalt  }
0x4e: {  	_ =	shalt  }
0x4f: {  	_ =	shalt  }
0x50: {  	_ =	shalt  }
0x51: {  	_ =	shalt  }
0x52: {  	_ =	shalt  }
0x53: {  	_ =	shalt  }
0x54: {  	_ =	shalt  }
0x55: {  	_ =	shalt  }
0x56: {  	_ =	shalt  }
0x57: {  	_ =	shalt  }
0x58: {  	_ =	shalt  }
0x59: {  	_ =	shalt  }
0x5a: {  	_ =	shalt  }
0x5b: {  	_ =	shalt  }
0x5c: {  	_ =	shalt  }
0x5d: {  	_ =	shalt  }
0x5e: {  	_ =	shalt  }
0x5f: {  	_ =	shalt  }
0x60: {  	_ =	shalt  }
0x61: {  	_ =	shalt  }
0x62: {  	_ =	shalt  }
0x63: {  	_ =	shalt  }
0x64: {  	_ =	shalt  }
0x65: {  	_ =	shalt  }
0x66: {  	_ =	shalt  }
0x67: {  	_ =	shalt  }
0x68: {  	_ =	shalt  }
0x69: {  	_ =	shalt  }
0x6a: {  	_ =	shalt  }
0x6b: {  	_ =	shalt  }
0x6c: {  	_ =	shalt  }
0x6d: {  	_ =	shalt  }
0x6e: {  	_ =	shalt  }
0x6f: {  	_ =	shalt  }
0x70: {  	_ =	shalt  }
0x71: {  	_ =	shalt  }
0x72: {  	_ =	shalt  }
0x73: {  	_ =	shalt  }
0x74: {  	_ =	shalt  }
0x75: {  	_ =	shalt  }
0x76: {  	_ =	shalt  }
0x77: {  	_ =	shalt  }
0x78: {  	_ =	shalt  }
0x79: {  	_ =	shalt  }
0x7a: {  	_ =	shalt  }
0x7b: {  	_ =	shalt  }
0x7c: {  	_ =	shalt  }
0x7d: {  	_ =	shalt  }
0x7e: {  	_ =	shalt  }
0x7f: {  	_ =	shalt  }
0x80: {  	_ =	shalt  }
0x81: {  	_ =	shalt  }
0x82: {  	_ =	shalt  }
0x83: {  	_ =	shalt  }
0x84: {  	_ =	shalt  }
0x85: {  	_ =	shalt  }
0x86: {  	_ =	shalt  }
0x87: {  	_ =	shalt  }
.Lfunc_end0:
.L_simem_size_0:
called_computation_lowered:
.L_overlay_start_0:
0x88: {  	s2 =	sld [smem:$0x3FD9]  }
0x89: {  	s3 =	sld [smem:$0x3FFE];
	_ =	sdelay $0x1  }
0x8a: {  	s1 =	srdreg.scid  }
0x8b: {  	s0 =	sand.u32 $0x1, s1  }
0x8c: {  	s17 =	sshll.u32 s0, $0xA;
	s2 =	sadd.s32 s3, s2  }
0x8d: {  	s2 =	sadd.s32 s2, s17  }
0x8e: {  	[smem:$0x3FC6] =	sst s2  }
0x8f: {  	_ = 	snop  }
0x90: {  	s2 =	sld [smem:$0x3FC9]  }
0x91: {  	s18 =	sld [smem:$0x3FD0];
	(tm) =	ssettm $0x1  }
0x92: {  	s4 =	sld [smem:$0x3FFB];
	_ =	sdelay $0x3  }
0x93: {  	_ =	strace s4  }
0x94: {  	s4 =	sld [smem:$0x3FFC];
	_ =	sdelay $0x3  }
0x95: {  	_ =	strace s4  }
0x96: {  	s4 =	sld [smem:$0x3FFD];
	_ =	sdelay $0x3  }
0x97: {  	_ =	strace s4  }
0x98: {  	_ =	strace $0x8FFFFFFF  }
0x99: {  	s19 =	sld [smem:$0x3FDB];
	_ =	sdelay $0x1  }
0x9a: {  	s5 =	simm.s32 $_scs_section_size  }
0x9b: {  	s6 =	simm.s32 $_size__tile_overlayer_lowered;
	s7 =	simm.s32 $_tile_overlayer_lowered  }
0x9c: {  	s22 =	simm.s32 $0x1BFF;
	s21 =	sshll.u32 s7, $0x1;
	s4 =	sadd.s32 s5, s19  }
0x9d: {  	s8 =	simm.s32 $0x0;
	s20 =	sshll.u32 s6, $0x1;
	s6 =	sadd.s32 s21, s4  }
0x9e: {  	[timem:s8], [sflag:s22] =	dma.local [hbm:s6], s20  }
0x9f: {  	_ =	swait.ge [sflag:s22], s20  }
0xa0: {  	s5 =	ssub.s32 $0x0, s20;
	[sflag:s22] =	ssyncset.done $0x0  }
0xa1: {  	[sflag:s22] =	ssyncadd.s32 s5;
	_ =	sdelay $0x1  }
0xa2: {  	s23 =	simm.s32 $0x1B8B  }
0xa3: {  	_ =	swait.ge [sflag:s23], $0x1  }
0xa4: {  	[sflag:s23] =	ssyncset.done $0x0  }
0xa5: {  	s25 =	simm.s32 $0x1B8E;
	s24 =	sld [smem:$0x3FFE];
	[sflag:s23] =	ssyncadd.s32 $0xFFFFFFFF  }
0xa6: {  	s26 =	simm.s32 $execute0_lowered;
	[smem:$0x3FD2] =	sst s25  }
0xa7: {  	s6 =	sshll.u32 s26, $0x1;
	_ =	strace $0x80000046;
	[dreg:$0x1] =	wrdreg $0xFFFFFFFF  }
0xa8: {  	s28 =	simm.s32 $_size_execute0_lowered;
	s4 =	sadd.s32 s4, s6;
	[dreg:$0x0] =	wrdreg $0x0  }
0xa9: {  	s6 =	sshll.u32 s28, $0x1;
	[dreg:$0x2] =	wrdreg s4  }
0xaa: {  	[dreg:$0x3] =	wrdreg s6  }
0xab: {  	[dreg:$0x4] =	wrdreg $0xC0  }
0xac: {  	_ =	task [dreg:s8], $0x5FFFF  }
0xad: {  	[dreg:$0x1] =	wrdreg $0xFFFFFFFF  }
0xae: {  	[dreg:$0x0] =	wrdreg $0x60  }
0xaf: {  	[dreg:$0x2] =	wrdreg s2  }
0xb0: {  	[dreg:$0x3] =	wrdreg s24  }
0xb1: {  	[dreg:$0x4] =	wrdreg s18  }
0xb2: {  	[dreg:$0x5] =	wrdreg $0x9  }
0xb3: {  	_ =	task.clear_ibuf [dreg:s8], $0x6FFFF;
	_ =	strace $0x90000046  }
0xb4: {  	s29 =	simm.s32 $0x9;
	_ =	strace $0x80000048  }
0xb5: {  	_ =	swait.ge [sflag:s29], $0x1  }
0xb6: {  	[sflag:s29] =	ssyncadd.s32 $0xFFFFFFFF  }
0xb7: {  	_ =	strace $0x90000048  }
0xb8: {  	_ =	sfence  }
0xb9: {  	s30 =	sld [smem:$0x0];
	_ =	sdelay $0x2  }
0xba: {  	s31 =	sshll.u32 s1, $0xD;
	s1 =	sshrl.u32 s1, $0x2  }
0xbb: {  	s3 =	sand.u32 $0x4000, s31;
	s1 =	sadd.s32 s1, s30  }
0xbc: {  	s0 =	sor.u32 s3, s0;
	s1 =	sshll.u32 s1, $0x11  }
0xbd: {  	s0 =	sor.u32 s1, s0  }
0xbe: {  	s0 =	sadd.s32 $0x8F2B, s0  }
0xbf: {  	[sflag:s0] =	ssyncadd.remote.s32 $0x1  }
0xc0: {  	_ =	sfence.sel $0xFFFF  }
0xc1: {  	[dreg:$0x0] =	wrdreg $0xFFFFFFFF;
	(pc) =	sbr.abs _section_cstart, $3  }
0xc2: {  	[dreg:$0x1] =	wrdreg $0xFFFFFFFF  }
0xc3: {  	_ =	task.clear_ibuf [dreg:s8], $0x2FFFF;
	_ =	strace $0x9FFFFFFF  }
0xc4: {  	(tm) =	ssettm $0x7FFFFFFF  }
0xc5: {  	_ =	shalt  }
tec
execute0_lowered:
.L_overlay_start_1:
0x0: {  	(tag) =	ssettag $0x1  }
0x1: {  	v0 =	vimm.s32 $0x1780;
	vm0 =	vcmask $0x300;
	v1 =	vimm.s32 $0x3F80  }
0x2: {  	vm1 =	vcmask $0x704;
	v0 =	vsel vm0, $0x0, v0;
	v1 =	vsel vm0, $0x2800, v1  }
0x3: {  	s4 =	rddreg [dreg:$0x0];
	vm15 =	vcmask $0xB08;
	v0 =	vsel vm1, $0x80, v0;
	v1 =	vsel vm1, $0x2880, v1  }
0x4: {  	s3 =	rddreg [dreg:$0x1];
	vm4 =	vcmask $0xF0C;
	v0 =	vsel vm15, $0x100, v0;
	v1 =	vsel vm15, $0x2900, v1  }
0x5: {  	s5 =	rddreg [dreg:$0x2];
	s2 =	srdreg.scid;
	vm5 =	vcmask $0x1310;
	v0 =	vsel vm4, $0x180, v0;
	v1 =	vsel vm4, $0x2980, v1  }
0x6: {  	s0 =	rddreg [dreg:$0x3];
	s1 =	stileid.u32;
	vm6 =	vcmask $0x1714;
	s10 =	simm.s32 $0x400;
	v0 =	vsel vm5, $0x200, v0;
	v1 =	vsel vm5, $0x2A00, v1  }
0x7: {  	vm7 =	vcmask $0x1B18;
	s11 =	simm.s32 $0x280;
	s12 =	simm.s32 $0x4400;
	s13 =	simm.s32 $0x300;
	v0 =	vsel vm6, $0x280, v0;
	v1 =	vsel vm6, $0x2A80, v1  }
0x8: {  	vm8 =	vcmask $0x1F1C;
	s14 =	simm.s32 $0x8400;
	s15 =	simm.s32 $0x380;
	s16 =	simm.s32 $0xC400;
	v0 =	vsel vm7, $0x300, v0;
	v1 =	vsel vm7, $0x2B00, v1  }
0x9: {  	vm9 =	vcmask $0x2320;
	s17 =	simm.s32 $0x1;
	s18 =	simm.s32 $0x10400;
	s19 =	simm.s32 $0x11800;
	v0 =	vsel vm8, $0x380, v0;
	v1 =	vsel vm8, $0x2B80, v1  }
0xa: {  	vm10 =	vcmask $0x2724;
	s20 =	simm.s32 $0x12C00;
	s21 =	simm.s32 $0x14000;
	s22 =	simm.s32 $0x0;
	v0 =	vsel vm9, $0x1400, v0;
	v1 =	vsel vm9, $0x3C00, v1  }
0xb: {  	vm11 =	vcmask $0x2B28;
	s6 =	sand.u32 $0x1, s2;
	s2 =	simm.s32 $0x0;
	s7 =	sshll.u32 s1, $0xA;
	v0 =	vsel vm10, $0x1480, v0;
	v1 =	vsel vm10, $0x3C80, v1  }
0xc: {  	vm12 =	vcmask $0x2F2C;
	s3 =	sadd.s32 $0x600, s3;
	s8 =	sshll.u32 s6, $0x9;
	[smem:$0x7FF] =	sst s2;
	v0 =	vsel vm11, $0x1500, v0;
	v1 =	vsel vm11, $0x3D00, v1  }
0xd: {  	vm13 =	vcmask $0x3330;
	s6 =	ssub.s32 $0x2, s6;
	s7 =	sor.u32 s8, s7;
	_ =	strace $0x80000047;
	v0 =	vsel vm12, $0x1580, v0;
	v1 =	vsel vm12, $0x3D80, v1  }
0xe: {  	vm14 =	vcmask $0x3734;
	s31 =	sshrl.u32 s6, $0x1;
	s8 =	simm.s32 $0x80;
	s9 =	sshrl.u32 s7, $0x3;
	v0 =	vsel vm13, $0x1600, v0;
	v1 =	vsel vm13, $0x3E00, v1  }
0xf: {  	vm15 =	vcmask $0x3B38;
	s6 =	ssub.s32 s6, s31;
	s5 =	sadd.s32 s5, s7;
	s7 =	simm.s32 $0x2;
	v2 =	vsel vm14, $0x1680, v0;
	v3 =	vsel vm14, $0x3E80, v1  }
0x10: {  	s4 =	sadd.s32 s4, s9;
	s6 =	smax.u32 s6, $0x1;
	s9 =	simm.s32 $0x200;
	v0 =	vimm.s32 $0x0;
	v1 =	vsel vm15, $0x1700, v2;
	v2 =	vsel vm15, $0x3F00, v3  }
.LBB2_1:
0x11: {  	[tilespmem:s2], [sflag:$0x2] =	stream.linear.gather [hbm4b:s4+s2], $0x200, $0x38;
	[tilespmem:$0x15400] =	vst v63  }
0x12: {  	_ =	swait.ge [sflag:s7], $0x200  }
0x13: {  	[sflag:s7] =	ssyncset.done $0x0  }
0x14: {  	[sflag:s7] =	ssyncadd.s32 $0xFFFFFE00  }
0x15: {  	v3 =	vld [tilespmem:$0x0]  }
0x16: {  	v4 =	vld [tilespmem:$0x10]  }
0x17: {  	v7 =	vld [tilespmem:$0x20]  }
0x18: {  	v8 =	vld [tilespmem:$0x30]  }
0x19: {  	v9 =	vld [tilespmem:$0x40]  }
0x1a: {  	v10 =	vld [tilespmem:$0x50]  }
0x1b: {  	v11 =	vld [tilespmem:$0x60]  }
0x1c: {  	v12 =	vld [tilespmem:$0x70];
	vm0 =	vgt.s32 v3, $0x61FF;
	v5 =	vadd.s32 $0xFFFF9E00, v3  }
0x1d: {  	v13 =	vld [tilespmem:$0x80];
	vm1 =	vgt.s32 v3, $0xC3FF;
	v6 =	vadd.s32 $0xFFFF3C00, v3;
	vm15 =	vgt.s32 v3, $0x125FF  }
0x1e: {  	v14 =	vld [tilespmem:$0x90];
	vm4 =	vgt.s32 v4, $0x61FF;
	vm5 =	vgt.s32 v4, $0xC3FF;
	vm6 =	vgt.s32 v4, $0x125FF  }
0x1f: {  	v15 =	vld [tilespmem:$0xA0];
	vm7 =	vgt.s32 v7, $0x61FF;
	vm8 =	vgt.s32 v7, $0xC3FF;
	vm9 =	vgt.s32 v7, $0x125FF  }
0x20: {  	v16 =	vld [tilespmem:$0xB0];
	vm10 =	vgt.s32 v8, $0x61FF;
	vm11 =	vgt.s32 v8, $0xC3FF;
	vm12 =	vgt.s32 v8, $0x125FF  }
0x21: {  	v17 =	vld [tilespmem:$0xC0];
	vm13 =	vgt.s32 v9, $0x61FF;
	vm14 =	vgt.s32 v9, $0xC3FF;
	v20 =	vadd.s32 $0xFFFF3C00, v9  }
0x22: {  	v18 =	vld [tilespmem:$0xD0];
	v21 =	vadd.s32 $0xFFFF9E00, v10;
	v22 =	vadd.s32 $0xFFFF3C00, v10;
	v23 =	vadd.s32 $0xFFFF9E00, v11  }
0x23: {  	v19 =	vld [tilespmem:$0xE0];
	v24 =	vadd.s32 $0xFFFF3C00, v11;
	v25 =	vadd.s32 $0xFFFF9E00, v12;
	v26 =	vadd.s32 $0xFFFF3C00, v12  }
0x24: {  	v57 =	vld [tilespmem:$0x180];
	v27 =	vadd.s32 $0xFFFF9E00, v13;
	v28 =	vadd.s32 $0xFFFF3C00, v13;
	v29 =	vadd.s32 $0xFFFF9E00, v14  }
0x25: {  	v30 =	vadd.s32 $0xFFFF3C00, v14;
	v31 =	vadd.s32 $0xFFFF9E00, v15;
	v32 =	vadd.s32 $0xFFFF3C00, v15  }
0x26: {  	v33 =	vadd.s32 $0xFFFF9E00, v16;
	v34 =	vadd.s32 $0xFFFF3C00, v16;
	v35 =	vadd.s32 $0xFFFF9E00, v17  }
0x27: {  	v36 =	vadd.s32 $0xFFFF3C00, v17;
	v37 =	vadd.s32 $0xFFFF9E00, v18;
	v38 =	vadd.s32 $0xFFFF3C00, v18  }
0x28: {  	v39 =	vadd.s32 $0xFFFF9E00, v19;
	v40 =	vadd.s32 $0xFFFF3C00, v19;
	v5 =	vsel vm0, v5, v3  }
0x29: {  	v58 =	vadd.s32 $0xFFFF3C00, v57;
	v3 =	vadd.s32 $0xFFFEDA00, v3;
	v5 =	vsel vm1, v6, v5  }
0x2a: {  	v60 =	vadd.s32 $0xFFFEDA00, v57;
	v3 =	vsel vm15, v3, v5;
	v5 =	vadd.s32 $0xFFFF9E00, v4  }
0x2b: {  	v6 =	vadd.s32 $0xFFFF3C00, v4;
	vm15 =	vgt.s32 v9, $0x125FF;
	v5 =	vsel vm4, v5, v4  }
0x2c: {  	v4 =	vadd.s32 $0xFFFEDA00, v4;
	vm4 =	vgt.s32 v10, $0x61FF;
	v5 =	vsel vm5, v6, v5  }
0x2d: {  	v6 =	vadd.s32 $0xFFFF3C00, v7;
	v4 =	vsel vm6, v4, v5;
	v5 =	vadd.s32 $0xFFFF9E00, v7  }
0x2e: {  	vm5 =	vgt.s32 v10, $0xC3FF;
	vm6 =	vgt.s32 v10, $0x125FF;
	v5 =	vsel vm7, v5, v7  }
0x2f: {  	v7 =	vadd.s32 $0xFFFEDA00, v7;
	vm7 =	vgt.s32 v11, $0x61FF;
	v5 =	vsel vm8, v6, v5  }
0x30: {  	v6 =	vadd.s32 $0xFFFF9E00, v8;
	vm8 =	vgt.s32 v11, $0xC3FF;
	v5 =	vsel vm9, v7, v5  }
0x31: {  	v7 =	vadd.s32 $0xFFFF3C00, v8;
	v6 =	vsel vm10, v6, v8;
	v8 =	vadd.s32 $0xFFFEDA00, v8  }
0x32: {  	vm9 =	vgt.s32 v11, $0x125FF;
	vm10 =	vgt.s32 v12, $0x61FF;
	v6 =	vsel vm11, v7, v6  }
0x33: {  	v7 =	vadd.s32 $0xFFFF9E00, v9;
	vm11 =	vgt.s32 v12, $0xC3FF;
	v6 =	vsel vm12, v8, v6  }
0x34: {  	v7 =	vsel vm13, v7, v9;
	v9 =	vadd.s32 $0xFFFEDA00, v9;
	v8 =	vsel vm4, v21, v10  }
0x35: {  	v10 =	vadd.s32 $0xFFFEDA00, v10;
	vm12 =	vgt.s32 v12, $0x125FF;
	vm13 =	vgt.s32 v13, $0x61FF  }
0x36: {  	vm4 =	vgt.s32 v14, $0x61FF;
	v7 =	vsel vm14, v20, v7;
	v8 =	vsel vm5, v22, v8  }
0x37: {  	vm14 =	vgt.s32 v13, $0xC3FF;
	vm5 =	vgt.s32 v14, $0xC3FF;
	v7 =	vsel vm15, v9, v7  }
0x38: {  	v8 =	vsel vm6, v10, v8;
	v9 =	vsel vm7, v23, v11;
	v11 =	vadd.s32 $0xFFFEDA00, v11  }
0x39: {  	v10 =	vsel vm10, v25, v12;
	v12 =	vadd.s32 $0xFFFEDA00, v12;
	vm15 =	vgt.s32 v13, $0x125FF  }
0x3a: {  	v63 =	vld [tilespmem:$0x1B0];
	vm6 =	vgt.s32 v14, $0x125FF;
	vm7 =	vgt.s32 v15, $0x61FF;
	vm10 =	vgt.s32 v16, $0x61FF  }
0x3b: {  	v9 =	vsel vm8, v24, v9;
	v10 =	vsel vm11, v26, v10;
	vm8 =	vgt.s32 v15, $0xC3FF  }
0x3c: {  	v21 =	vld [tilespmem:$0x100];
	vm11 =	vgt.s32 v16, $0xC3FF;
	v9 =	vsel vm9, v11, v9;
	v10 =	vsel vm12, v12, v10  }
0x3d: {  	v59 =	vld [tilespmem:$0x1A0];
	v11 =	vsel vm13, v27, v13;
	v13 =	vadd.s32 $0xFFFEDA00, v13;
	v12 =	vsel vm4, v29, v14  }
0x3e: {  	v14 =	vadd.s32 $0xFFFEDA00, v14;
	vm9 =	vgt.s32 v15, $0x125FF;
	vm12 =	vgt.s32 v16, $0x125FF  }
0x3f: {  	vm13 =	vgt.s32 v17, $0x61FF;
	vm4 =	vgt.s32 v18, $0x61FF;
	v29 =	vadd.s32 $0xFFFEDA00, v63  }
0x40: {  	v20 =	vld [tilespmem:$0xF0];
	v11 =	vsel vm14, v28, v11;
	v12 =	vsel vm5, v30, v12;
	vm14 =	vgt.s32 v17, $0xC3FF  }
0x41: {  	v22 =	vld [tilespmem:$0x110];
	vm5 =	vgt.s32 v18, $0xC3FF;
	v43 =	vadd.s32 $0xFFFF9E00, v21;
	v44 =	vadd.s32 $0xFFFF3C00, v21  }
0x42: {  	[tilespmem:$0x260] =	vst v9;
	v9 =	vadd.s32 $0xFFFEDA00, v59;
	v11 =	vsel vm15, v13, v11;
	v12 =	vsel vm6, v14, v12  }
0x43: {  	v23 =	vld [tilespmem:$0x120];
	v13 =	vsel vm7, v31, v15;
	v15 =	vadd.s32 $0xFFFEDA00, v15;
	v14 =	vsel vm10, v33, v16  }
0x44: {  	v25 =	vld [tilespmem:$0x140];
	v16 =	vadd.s32 $0xFFFEDA00, v16;
	vm15 =	vgt.s32 v17, $0x125FF;
	vm6 =	vgt.s32 v18, $0x125FF  }
0x45: {  	vm7 =	vgt.s32 v19, $0x61FF;
	vm10 =	vgt.s32 v20, $0x61FF;
	v41 =	vadd.s32 $0xFFFF9E00, v20  }
0x46: {  	v42 =	vadd.s32 $0xFFFF3C00, v20;
	v45 =	vadd.s32 $0xFFFF9E00, v22;
	v46 =	vadd.s32 $0xFFFF3C00, v22  }
0x47: {  	v24 =	vld [tilespmem:$0x130];
	v13 =	vsel vm8, v32, v13;
	v14 =	vsel vm11, v34, v14;
	vm8 =	vgt.s32 v19, $0xC3FF  }
0x48: {  	v26 =	vld [tilespmem:$0x150];
	vm11 =	vgt.s32 v20, $0xC3FF;
	v47 =	vadd.s32 $0xFFFF9E00, v23;
	v48 =	vadd.s32 $0xFFFF3C00, v23  }
0x49: {  	[tilespmem:$0x240] =	vst v7;
	v7 =	vld [tilespmem:$0x190];
	v51 =	vadd.s32 $0xFFFF9E00, v25;
	v52 =	vadd.s32 $0xFFFF3C00, v25;
	v13 =	vsel vm9, v15, v13  }
0x4a: {  	v14 =	vsel vm12, v16, v14;
	v15 =	vsel vm13, v35, v17;
	v17 =	vadd.s32 $0xFFFEDA00, v17  }
0x4b: {  	v27 =	vld [tilespmem:$0x160];
	v16 =	vsel vm4, v37, v18;
	v18 =	vadd.s32 $0xFFFEDA00, v18;
	vm9 =	vgt.s32 v19, $0x125FF  }
0x4c: {  	vm12 =	vgt.s32 v20, $0x125FF;
	vm13 =	vgt.s32 v21, $0x61FF;
	vm4 =	vgt.s32 v22, $0x61FF  }
0x4d: {  	v49 =	vadd.s32 $0xFFFF9E00, v24;
	v50 =	vadd.s32 $0xFFFF3C00, v24;
	v53 =	vadd.s32 $0xFFFF9E00, v26  }
0x4e: {  	v54 =	vadd.s32 $0xFFFF3C00, v26;
	v55 =	vadd.s32 $0xFFFEDA00, v26;
	v61 =	vadd.s32 $0xFFFF9E00, v7  }
0x4f: {  	v62 =	vadd.s32 $0xFFFF3C00, v7;
	v15 =	vsel vm14, v36, v15;
	v16 =	vsel vm5, v38, v16  }
0x50: {  	[tilespmem:$0x210] =	vst v4;
	v28 =	vld [tilespmem:$0x170];
	vm14 =	vgt.s32 v21, $0xC3FF;
	vm5 =	vgt.s32 v22, $0xC3FF;
	v56 =	vadd.s32 $0xFFFF9E00, v27  }
0x51: {  	[tilespmem:$0x220] =	vst v5;
	v4 =	vadd.s32 $0xFFFF3C00, v27;
	v5 =	vadd.s32 $0xFFFEDA00, v27;
	v15 =	vsel vm15, v17, v15  }
0x52: {  	v16 =	vsel vm6, v18, v16;
	v17 =	vsel vm7, v39, v19;
	v19 =	vadd.s32 $0xFFFEDA00, v19  }
0x53: {  	v18 =	vsel vm10, v41, v20;
	v20 =	vadd.s32 $0xFFFEDA00, v20;
	vm15 =	vgt.s32 v21, $0x125FF  }
0x54: {  	vm6 =	vgt.s32 v22, $0x125FF;
	vm7 =	vgt.s32 v23, $0x61FF;
	vm10 =	vgt.s32 v24, $0x61FF  }
0x55: {  	[tilespmem:$0x230] =	vst v6;
	v6 =	vadd.s32 $0xFFFF3C00, v28;
	v17 =	vsel vm8, v40, v17;
	v18 =	vsel vm11, v42, v18  }
0x56: {  	vm8 =	vgt.s32 v23, $0xC3FF;
	vm11 =	vgt.s32 v24, $0xC3FF;
	[tilespmem:$0x2C0] =	vst v15;
	v15 =	vadd.s32 $0xFFFF9E00, v59  }
0x57: {  	v17 =	vsel vm9, v19, v17;
	v18 =	vsel vm12, v20, v18;
	v19 =	vsel vm13, v43, v21  }
0x58: {  	v21 =	vadd.s32 $0xFFFEDA00, v21;
	v20 =	vsel vm4, v45, v22;
	v22 =	vadd.s32 $0xFFFEDA00, v22  }
0x59: {  	vm9 =	vgt.s32 v23, $0x125FF;
	vm12 =	vgt.s32 v24, $0x125FF;
	vm13 =	vgt.s32 v25, $0x61FF  }
0x5a: {  	vm4 =	vgt.s32 v26, $0x61FF;
	v19 =	vsel vm14, v44, v19;
	v20 =	vsel vm5, v46, v20  }
0x5b: {  	vm14 =	vgt.s32 v25, $0xC3FF;
	vm5 =	vgt.s32 v26, $0xC3FF;
	v19 =	vsel vm15, v21, v19  }
0x5c: {  	v20 =	vsel vm6, v22, v20;
	v21 =	vsel vm7, v47, v23;
	v23 =	vadd.s32 $0xFFFEDA00, v23  }
0x5d: {  	v22 =	vsel vm10, v49, v24;
	v24 =	vadd.s32 $0xFFFEDA00, v24;
	vm15 =	vgt.s32 v25, $0x125FF  }
0x5e: {  	vm6 =	vgt.s32 v26, $0x125FF;
	vm7 =	vgt.s32 v27, $0x61FF;
	vm10 =	vgt.s32 v28, $0x61FF  }
0x5f: {  	v21 =	vsel vm8, v48, v21;
	v22 =	vsel vm11, v50, v22;
	vm8 =	vgt.s32 v27, $0xC3FF  }
0x60: {  	vm11 =	vgt.s32 v28, $0xC3FF;
	v21 =	vsel vm9, v23, v21;
	v22 =	vsel vm12, v24, v22  }
0x61: {  	v23 =	vsel vm13, v51, v25;
	v25 =	vadd.s32 $0xFFFEDA00, v25;
	v24 =	vsel vm4, v53, v26  }
0x62: {  	vm9 =	vgt.s32 v27, $0x125FF;
	vm12 =	vgt.s32 v28, $0x125FF;
	vm13 =	vgt.s32 v57, $0x61FF  }
0x63: {  	vm4 =	vgt.s32 v7, $0x61FF;
	v26 =	vadd.s32 $0xFFFF9E00, v63;
	v23 =	vsel vm14, v52, v23  }
0x64: {  	[tilespmem:$0x200] =	vst v3;
	v24 =	vsel vm5, v54, v24;
	vm14 =	vgt.s32 v57, $0xC3FF;
	vm5 =	vgt.s32 v7, $0xC3FF  }
0x65: {  	[tilespmem:$0x250] =	vst v8;
	v32 =	vld [tilespmem:$0x1E0];
	v8 =	vsel vm4, v61, v7;
	v23 =	vsel vm15, v25, v23;
	v3 =	vsel vm6, v55, v24  }
0x66: {  	[tilespmem:$0x270] =	vst v10;
	v24 =	vsel vm7, v56, v27;
	vm15 =	vgt.s32 v57, $0x125FF;
	v8 =	vsel vm5, v62, v8  }
0x67: {  	[tilespmem:$0x280] =	vst v11;
	vm6 =	vgt.s32 v7, $0x125FF;
	v7 =	vadd.s32 $0xFFFEDA00, v7;
	vm7 =	vgt.s32 v59, $0x61FF  }
0x68: {  	[tilespmem:$0x290] =	vst v12;
	v27 =	vadd.s32 $0xFFFF3C00, v63;
	v4 =	vsel vm8, v4, v24;
	v7 =	vsel vm6, v7, v8  }
0x69: {  	[tilespmem:$0x2A0] =	vst v13;
	vm8 =	vgt.s32 v59, $0xC3FF;
	v24 =	vadd.s32 $0xFFFF3C00, v59;
	v8 =	vsel vm7, v15, v59  }
0x6a: {  	[tilespmem:$0x2B0] =	vst v14;
	v25 =	vld [tilespmem:$0x1C0];
	vm7 =	vgt.s32 v32, $0x61FF;
	v4 =	vsel vm9, v5, v4;
	v5 =	vadd.s32 $0xFFFF9E00, v28  }
0x6b: {  	[tilespmem:$0x2D0] =	vst v16;
	v8 =	vsel vm8, v24, v8;
	vm9 =	vgt.s32 v59, $0x125FF;
	vm8 =	vgt.s32 v32, $0xC3FF  }
0x6c: {  	[tilespmem:$0x2E0] =	vst v17;
	v5 =	vsel vm10, v5, v28;
	v8 =	vsel vm9, v9, v8;
	vm10 =	vgt.s32 v63, $0x61FF  }
0x6d: {  	[tilespmem:$0x2F0] =	vst v18;
	vm9 =	vgt.s32 v32, $0x125FF;
	v5 =	vsel vm11, v6, v5;
	v6 =	vadd.s32 $0xFFFEDA00, v28  }
0x6e: {  	[tilespmem:$0x300] =	vst v19;
	vm11 =	vgt.s32 v63, $0xC3FF;
	v9 =	vsel vm10, v26, v63;
	v28 =	vld [tilespmem:$0x1D0];
	v5 =	vsel vm12, v6, v5  }
0x6f: {  	[tilespmem:$0x310] =	vst v20;
	v6 =	vadd.s32 $0xFFFF9E00, v57;
	v30 =	vadd.s32 $0xFFFF9E00, v25;
	v31 =	vadd.s32 $0xFFFF3C00, v25  }
0x70: {  	[tilespmem:$0x320] =	vst v21;
	v33 =	vadd.s32 $0xFFFEDA00, v25;
	v6 =	vsel vm13, v6, v57;
	vm13 =	vgt.s32 v25, $0x61FF  }
0x71: {  	[tilespmem:$0x330] =	vst v22;
	v6 =	vsel vm14, v58, v6;
	vm14 =	vgt.s32 v25, $0xC3FF;
	v10 =	vsel vm13, v30, v25  }
0x72: {  	[tilespmem:$0x340] =	vst v23;
	v6 =	vsel vm15, v60, v6;
	v10 =	vsel vm14, v31, v10;
	vm15 =	vgt.s32 v25, $0x125FF  }
0x73: {  	[tilespmem:$0x350] =	vst v3;
	v3 =	vsel vm15, v33, v10;
	vm4 =	vgt.s32 v28, $0x61FF;
	v34 =	vadd.s32 $0xFFFF9E00, v28  }
0x74: {  	v35 =	vld [tilespmem:$0x1F0];
	[tilespmem:$0x360] =	vst v4;
	vm5 =	vgt.s32 v28, $0xC3FF;
	v4 =	vadd.s32 $0xFFFF3C00, v28;
	v10 =	vsel vm4, v34, v28  }
0x75: {  	[tilespmem:$0x370] =	vst v5;
	vm6 =	vgt.s32 v28, $0x125FF;
	v5 =	vadd.s32 $0xFFFEDA00, v28;
	v4 =	vsel vm5, v4, v10  }
0x76: {  	[tilespmem:$0x390] =	vst v7;
	v9 =	vsel vm11, v27, v9;
	v4 =	vsel vm6, v5, v4;
	v5 =	vadd.s32 $0xFFFF9E00, v32  }
0x77: {  	vm12 =	vgt.s32 v63, $0x125FF;
	[tilespmem:$0x380] =	vst v6;
	v6 =	vadd.s32 $0xFFFF3C00, v32;
	v5 =	vsel vm7, v5, v32  }
0x78: {  	[tilespmem:$0x3A0] =	vst v8;
	v9 =	vsel vm12, v29, v9;
	v5 =	vsel vm8, v6, v5;
	v6 =	vadd.s32 $0xFFFEDA00, v32  }
0x79: {  	vm10 =	vgt.s32 v35, $0x61FF;
	[tilespmem:$0x3B0] =	vst v9;
	v5 =	vsel vm9, v6, v5;
	v6 =	vadd.s32 $0xFFFF9E00, v35  }
0x7a: {  	vm11 =	vgt.s32 v35, $0xC3FF;
	[tilespmem:$0x3C0] =	vst v3;
	v3 =	vadd.s32 $0xFFFF3C00, v35;
	v6 =	vsel vm10, v6, v35  }
0x7b: {  	vm12 =	vgt.s32 v35, $0x125FF;
	[tilespmem:$0x3D0] =	vst v4;
	v4 =	vadd.s32 $0xFFFEDA00, v35;
	v3 =	vsel vm11, v3, v6  }
0x7c: {  	[tilespmem:$0x3E0] =	vst v5;
	v3 =	vsel vm12, v4, v3  }
0x7d: {  	[tilespmem:$0x3F0] =	vst v3  }
0x7e: {  	[tilespmem:s10], [sflag:$0x1] =	stream.indirect.gather [hbm4b:s3+s8], $0x80, s9, s8, $0xb8;
	[tilespmem:$0x15400] =	vst v63  }
0x7f: {  	_ = 	snop  }
0x80: {  	[tilespmem:s12], [sflag:$0x1] =	stream.indirect.gather [hbm4b:s3+s8], $0x80, s11, s8, $0xb8;
	[tilespmem:$0x15400] =	vst v63  }
0x81: {  	_ = 	snop  }
0x82: {  	[tilespmem:s14], [sflag:$0x1] =	stream.indirect.gather [hbm4b:s3+s8], $0x80, s13, s8, $0xb8;
	[tilespmem:$0x15400] =	vst v63  }
0x83: {  	_ = 	snop  }
0x84: {  	[tilespmem:s16], [sflag:$0x1] =	stream.indirect.gather [hbm4b:s3+s8], $0x80, s15, s8, $0xb8;
	[tilespmem:$0x15400] =	vst v63  }
0x85: {  	_ =	swait.ge [sflag:s17], $0x4000  }
0x86: {  	[sflag:s17] =	ssyncset.done $0x0  }
0x87: {  	[sflag:s17] =	ssyncadd.s32 $0xFFFFC000  }
0x88: {  	_ =	swait.ge [sflag:s17], $0x4000  }
0x89: {  	[sflag:s17] =	ssyncset.done $0x0  }
0x8a: {  	[sflag:s17] =	ssyncadd.s32 $0xFFFFC000  }
0x8b: {  	_ =	swait.ge [sflag:s17], $0x4000  }
0x8c: {  	[sflag:s17] =	ssyncset.done $0x0  }
0x8d: {  	[sflag:s17] =	ssyncadd.s32 $0xFFFFC000  }
0x8e: {  	_ =	swait.ge [sflag:s17], $0x4000  }
0x8f: {  	[sflag:s17] =	ssyncset.done $0x0  }
0x90: {  	[sflag:s17] =	ssyncadd.s32 $0xFFFFC000  }
0x91: {  	v3 =	vld [tilespmem:s2+$0x0];
	_ =	sdelay $0x4  }
0x92: {  	vm13 =	vgt.s32 v3, $0x61FF  }
0x93: {  	vm14 =	vgt.s32 v3, $0xC3FF;
	v4 =	vsel vm13, $0x20, v0  }
0x94: {  	vm15 =	vgt.s32 v3, $0x125FF;
	v3 =	vsel vm14, $0x40, v4  }
0x95: {  	s23 =	simm.s32 $0x0;
	v3 =	vsel vm15, $0x60, v3  }
0x96: {  	v3 =	vadd.s32 s23, v3  }
0x97: {  	(v2sf) =	vpush v3, $0x0;
	_ =	sdelay $0x6  }
0x98: {  	(v2sf) =	vpush v3, $0x1;
	_ =	sdelay $0x3  }
0x99: {  	s30 =	simm.s32 $0x0  }
0x9a: {  	v4 =	vmov s30  }
0x9b: {  	v5 =	vshll.u32 v4, $0x3  }
0x9c: {  	v4 =	vand.u32 $0x70, v4;
	v5 =	vand.u32 $0xC00, v5;
	(v2sf) =	vpush v3, $0x2  }
0x9d: {  	v4 =	vor.u32 v4, v5;
	s31 =	spop (v2sf)  }
0x9e: {  	v6 =	vadd.s32 v1, v4;
	v5 =	vld [tilespmem:s31+$0x400]  }
0x9f: {  	v4 =	vadd.s32 v2, v4;
	v7 =	vld [tilespmem:s31+$0x410]  }
0xa0: {  	s24 =	simm.s32 $0x1  }
0xa1: {  	v36 =	vmov s24  }
0xa2: {  	v37 =	vshll.u32 v36, $0x3  }
0xa3: {  	(v2sf) =	vpush v3, $0x3;
	[tilespmem:v6+s18+$0x0] =	vst.idx.msk $0xffff, v5;
	v5 =	vand.u32 $0x71, v36;
	v6 =	vand.u32 $0xC00, v37  }
0xa4: {  	s25 =	spop (v2sf);
	[tilespmem:v4+s18+$0x0] =	vst.idx.msk $0xffff, v7;
	v4 =	vor.u32 v5, v6  }
0xa5: {  	v5 =	vld [tilespmem:s25+$0x480];
	v6 =	vadd.s32 v1, v4  }
0xa6: {  	v7 =	vld [tilespmem:s25+$0x490];
	v4 =	vadd.s32 v2, v4  }
0xa7: {  	s26 =	simm.s32 $0x2  }
0xa8: {  	v38 =	vmov s26  }
0xa9: {  	v39 =	vshll.u32 v38, $0x3  }
0xaa: {  	(v2sf) =	vpush v3, $0x4;
	[tilespmem:v6+s18+$0x0] =	vst.idx.msk $0xffff, v5;
	v5 =	vand.u32 $0x72, v38;
	v6 =	vand.u32 $0xC00, v39  }
0xab: {  	s28 =	spop (v2sf);
	[tilespmem:v4+s18+$0x0] =	vst.idx.msk $0xffff, v7;
	v4 =	vor.u32 v5, v6  }
0xac: {  	v5 =	vld [tilespmem:s28+$0x500];
	v6 =	vadd.s32 v1, v4  }
0xad: {  	v7 =	vld [tilespmem:s28+$0x510];
	v4 =	vadd.s32 v2, v4  }
0xae: {  	s29 =	simm.s32 $0x3  }
0xaf: {  	v40 =	vmov s29  }
0xb0: {  	v41 =	vshll.u32 v40, $0x3  }
0xb1: {  	(v2sf) =	vpush v3, $0x5;
	[tilespmem:v6+s18+$0x0] =	vst.idx.msk $0xffff, v5;
	v5 =	vand.u32 $0x73, v40;
	v6 =	vand.u32 $0xC00, v41  }
0xb2: {  	s30 =	spop (v2sf);
	[tilespmem:v4+s18+$0x0] =	vst.idx.msk $0xffff, v7;
	v4 =	vor.u32 v5, v6  }
0xb3: {  	v5 =	vld [tilespmem:s30+$0x580];
	v6 =	vadd.s32 v1, v4  }
0xb4: {  	v7 =	vld [tilespmem:s30+$0x590];
	v4 =	vadd.s32 v2, v4  }
0xb5: {  	s31 =	simm.s32 $0x4  }
0xb6: {  	v42 =	vmov s31  }
0xb7: {  	v43 =	vshll.u32 v42, $0x3  }
0xb8: {  	(v2sf) =	vpush v3, $0x6;
	[tilespmem:v6+s18+$0x0] =	vst.idx.msk $0xffff, v5;
	v5 =	vand.u32 $0x74, v42;
	v6 =	vand.u32 $0xC00, v43  }
0xb9: {  	s24 =	spop (v2sf);
	[tilespmem:v4+s18+$0x0] =	vst.idx.msk $0xffff, v7;
	v4 =	vor.u32 v5, v6  }
0xba: {  	v5 =	vld [tilespmem:s24+$0x600];
	v6 =	vadd.s32 v1, v4  }
0xbb: {  	v7 =	vld [tilespmem:s24+$0x610];
	v4 =	vadd.s32 v2, v4  }
0xbc: {  	s25 =	simm.s32 $0x5  }
0xbd: {  	v44 =	vmov s25  }
0xbe: {  	v45 =	vshll.u32 v44, $0x3  }
0xbf: {  	(v2sf) =	vpush v3, $0x7;
	[tilespmem:v6+s18+$0x0] =	vst.idx.msk $0xffff, v5;
	v5 =	vand.u32 $0x75, v44;
	v6 =	vand.u32 $0xC00, v45  }
0xc0: {  	s26 =	spop (v2sf);
	[tilespmem:v4+s18+$0x0] =	vst.idx.msk $0xffff, v7;
	v4 =	vor.u32 v5, v6  }
0xc1: {  	v5 =	vld [tilespmem:s26+$0x680];
	v6 =	vadd.s32 v1, v4  }
0xc2: {  	v7 =	vld [tilespmem:s26+$0x690];
	v4 =	vadd.s32 v2, v4  }
0xc3: {  	s28 =	simm.s32 $0x6  }
0xc4: {  	v46 =	vmov s28  }
0xc5: {  	v47 =	vshll.u32 v46, $0x3  }
0xc6: {  	(v2sf) =	vpush v3, $0x8;
	[tilespmem:v6+s18+$0x0] =	vst.idx.msk $0xffff, v5;
	v5 =	vand.u32 $0x76, v46;
	v6 =	vand.u32 $0xC00, v47  }
0xc7: {  	s29 =	spop (v2sf);
	[tilespmem:v4+s18+$0x0] =	vst.idx.msk $0xffff, v7;
	v4 =	vor.u32 v5, v6  }
0xc8: {  	v5 =	vld [tilespmem:s29+$0x700];
	v6 =	vadd.s32 v1, v4  }
0xc9: {  	v7 =	vld [tilespmem:s29+$0x710];
	v4 =	vadd.s32 v2, v4  }
0xca: {  	s30 =	simm.s32 $0x7  }
0xcb: {  	v48 =	vmov s30  }
0xcc: {  	v49 =	vshll.u32 v48, $0x3  }
0xcd: {  	(v2sf) =	vpush v3, $0x9;
	[tilespmem:v6+s18+$0x0] =	vst.idx.msk $0xffff, v5;
	v5 =	vand.u32 $0x77, v48;
	v6 =	vand.u32 $0xC00, v49  }
0xce: {  	s31 =	spop (v2sf);
	[tilespmem:v4+s18+$0x0] =	vst.idx.msk $0xffff, v7;
	v4 =	vor.u32 v5, v6  }
0xcf: {  	v5 =	vld [tilespmem:s31+$0x780];
	v6 =	vadd.s32 v1, v4  }
0xd0: {  	v7 =	vld [tilespmem:s31+$0x790];
	v4 =	vadd.s32 v2, v4  }
0xd1: {  	s24 =	simm.s32 $0x8  }
0xd2: {  	v50 =	vmov s24  }
0xd3: {  	v51 =	vshll.u32 v50, $0x3  }
0xd4: {  	(v2sf) =	vpush v3, $0xA;
	[tilespmem:v6+s18+$0x0] =	vst.idx.msk $0xffff, v5;
	v5 =	vand.u32 $0x78, v50;
	v6 =	vand.u32 $0xC00, v51  }
0xd5: {  	s25 =	spop (v2sf);
	[tilespmem:v4+s18+$0x0] =	vst.idx.msk $0xffff, v7;
	v4 =	vor.u32 v5, v6  }
0xd6: {  	v5 =	vld [tilespmem:s25+$0x800];
	v6 =	vadd.s32 v1, v4  }
0xd7: {  	v7 =	vld [tilespmem:s25+$0x810];
	v4 =	vadd.s32 v2, v4  }
0xd8: {  	s26 =	simm.s32 $0x9  }
0xd9: {  	v52 =	vmov s26  }
0xda: {  	v53 =	vshll.u32 v52, $0x3  }
0xdb: {  	(v2sf) =	vpush v3, $0xB;
	[tilespmem:v6+s18+$0x0] =	vst.idx.msk $0xffff, v5;
	v5 =	vand.u32 $0x79, v52;
	v6 =	vand.u32 $0xC00, v53  }
0xdc: {  	s28 =	spop (v2sf);
	[tilespmem:v4+s18+$0x0] =	vst.idx.msk $0xffff, v7;
	v4 =	vor.u32 v5, v6  }
0xdd: {  	v5 =	vld [tilespmem:s28+$0x880];
	v6 =	vadd.s32 v1, v4  }
0xde: {  	v7 =	vld [tilespmem:s28+$0x890];
	v4 =	vadd.s32 v2, v4  }
0xdf: {  	s29 =	simm.s32 $0xA  }
0xe0: {  	v54 =	vmov s29  }
0xe1: {  	v55 =	vshll.u32 v54, $0x3  }
0xe2: {  	(v2sf) =	vpush v3, $0xC;
	[tilespmem:v6+s18+$0x0] =	vst.idx.msk $0xffff, v5;
	v5 =	vand.u32 $0x7A, v54;
	v6 =	vand.u32 $0xC00, v55  }
0xe3: {  	s30 =	spop (v2sf);
	[tilespmem:v4+s18+$0x0] =	vst.idx.msk $0xffff, v7;
	v4 =	vor.u32 v5, v6  }
0xe4: {  	v5 =	vld [tilespmem:s30+$0x900];
	v6 =	vadd.s32 v1, v4  }
0xe5: {  	v7 =	vld [tilespmem:s30+$0x910];
	v4 =	vadd.s32 v2, v4  }
0xe6: {  	s31 =	simm.s32 $0xB  }
0xe7: {  	v56 =	vmov s31  }
0xe8: {  	v57 =	vshll.u32 v56, $0x3  }
0xe9: {  	(v2sf) =	vpush v3, $0xD;
	[tilespmem:v6+s18+$0x0] =	vst.idx.msk $0xffff, v5;
	v5 =	vand.u32 $0x7B, v56;
	v6 =	vand.u32 $0xC00, v57  }
0xea: {  	s24 =	spop (v2sf);
	[tilespmem:v4+s18+$0x0] =	vst.idx.msk $0xffff, v7;
	v4 =	vor.u32 v5, v6  }
0xeb: {  	v5 =	vld [tilespmem:s24+$0x980];
	v6 =	vadd.s32 v1, v4  }
0xec: {  	v7 =	vld [tilespmem:s24+$0x990];
	v4 =	vadd.s32 v2, v4  }
0xed: {  	s25 =	simm.s32 $0xC  }
0xee: {  	v58 =	vmov s25  }
0xef: {  	v59 =	vshll.u32 v58, $0x3  }
0xf0: {  	(v2sf) =	vpush v3, $0xE;
	[tilespmem:v6+s18+$0x0] =	vst.idx.msk $0xffff, v5;
	v5 =	vand.u32 $0x7C, v58;
	v6 =	vand.u32 $0xC00, v59  }
0xf1: {  	s26 =	spop (v2sf);
	[tilespmem:v4+s18+$0x0] =	vst.idx.msk $0xffff, v7;
	v4 =	vor.u32 v5, v6  }
0xf2: {  	v5 =	vld [tilespmem:s26+$0xA00];
	v6 =	vadd.s32 v1, v4  }
0xf3: {  	v7 =	vld [tilespmem:s26+$0xA10];
	v4 =	vadd.s32 v2, v4  }
0xf4: {  	s28 =	simm.s32 $0xD  }
0xf5: {  	v60 =	vmov s28  }
0xf6: {  	v61 =	vshll.u32 v60, $0x3  }
0xf7: {  	(v2sf) =	vpush v3, $0xF;
	[tilespmem:v6+s18+$0x0] =	vst.idx.msk $0xffff, v5;
	v5 =	vand.u32 $0x7D, v60;
	v6 =	vand.u32 $0xC00, v61  }
0xf8: {  	s29 =	spop (v2sf);
	[tilespmem:v4+s18+$0x0] =	vst.idx.msk $0xffff, v7;
	v3 =	vor.u32 v5, v6  }
0xf9: {  	v4 =	vld [tilespmem:s29+$0xA80];
	v5 =	vadd.s32 v1, v3  }
0xfa: {  	v6 =	vld [tilespmem:s29+$0xA90];
	v3 =	vadd.s32 v2, v3  }
0xfb: {  	s30 =	simm.s32 $0xE  }
0xfc: {  	v7 =	vmov s30  }
0xfd: {  	v62 =	vshll.u32 v7, $0x3  }
0xfe: {  	[tilespmem:v5+s18+$0x0] =	vst.idx.msk $0xffff, v4;
	v4 =	vand.u32 $0x7E, v7;
	v5 =	vand.u32 $0xC00, v62  }
0xff: {  	s31 =	spop (v2sf);
	[tilespmem:v3+s18+$0x0] =	vst.idx.msk $0xffff, v6;
	v3 =	vor.u32 v4, v5  }
0x100: {  	v4 =	vld [tilespmem:s31+$0xB00];
	v5 =	vadd.s32 v1, v3  }
0x101: {  	v6 =	vld [tilespmem:s31+$0xB10];
	v3 =	vadd.s32 v2, v3  }
0x102: {  	s23 =	simm.s32 $0xF  }
0x103: {  	v7 =	vmov s23  }
0x104: {  	v63 =	vshll.u32 v7, $0x3  }
0x105: {  	[tilespmem:v5+s18+$0x0] =	vst.idx.msk $0xffff, v4;
	v4 =	vand.u32 $0x7F, v7;
	v5 =	vand.u32 $0xC00, v63  }
0x106: {  	s24 =	spop (v2sf);
	[tilespmem:v3+s18+$0x0] =	vst.idx.msk $0xffff, v6;
	v4 =	vor.u32 v4, v5  }
0x107: {  	v5 =	vld [tilespmem:s24+$0xB80];
	v6 =	vadd.s32 v1, v4  }
0x108: {  	v3 =	vld [tilespmem:s24+$0xB90];
	v4 =	vadd.s32 v2, v4;
	_ =	sdelay $0x3  }
0x109: {  	s25 =	simm.s32 $0x0;
	s24 =	simm.s32 $0x2000;
	[tilespmem:v6+s18+$0x0] =	vst.idx.msk $0xffff, v5  }
.LBB2_2:
0x10a: {  	p0 =	sne.s32 s24, $0x3E000;
	[tilespmem:v4+s18+$0x0] =	vst.idx.msk $0xffff, v3;
	s23 =	sadd.s32 $0x10, s23;
	s25 =	sadd.s32 $0x10, s25  }
0x10b: {  	s26 =	smov.u32 s24;
	s24 =	sadd.s32 $0x2000, s24;
	v3 =	vld [tilespmem:s25+$0x0];
	_ =	sdelay $0x4  }
0x10c: {  	vm0 =	vgt.s32 v3, $0x61FF  }
0x10d: {  	vm1 =	vgt.s32 v3, $0xC3FF;
	v4 =	vsel vm0, $0x20, v0  }
0x10e: {  	vm0 =	vgt.s32 v3, $0x125FF;
	v3 =	vsel vm1, $0x40, v4  }
0x10f: {  	s26 =	sshra.s32 s26, $0x2;
	v3 =	vsel vm0, $0x60, v3  }
0x110: {  	v3 =	vadd.s32 s26, v3  }
0x111: {  	(v2sf) =	vpush v3, $0x0;
	_ =	sdelay $0x6  }
0x112: {  	(v2sf) =	vpush v3, $0x1;
	_ =	sdelay $0x3  }
0x113: {  	s26 =	sadd.s32 $0xFFFFFFF1, s23  }
0x114: {  	v4 =	vmov s26  }
0x115: {  	v5 =	vshll.u32 v4, $0x3  }
0x116: {  	v4 =	vand.u32 $0x70, v4;
	v5 =	vand.u32 $0xC00, v5;
	(v2sf) =	vpush v3, $0x2  }
0x117: {  	v4 =	vor.u32 v4, v5;
	s26 =	spop (v2sf)  }
0x118: {  	v6 =	vadd.s32 v1, v4;
	v5 =	vld [tilespmem:s26+$0x400]  }
0x119: {  	v4 =	vadd.s32 v2, v4;
	v7 =	vld [tilespmem:s26+$0x410]  }
0x11a: {  	s26 =	sadd.s32 $0xFFFFFFF2, s23  }
0x11b: {  	v8 =	vmov s26  }
0x11c: {  	v9 =	vshll.u32 v8, $0x3  }
0x11d: {  	[tilespmem:v6+s18+$0x0] =	vst.idx.msk $0xffff, v5;
	v5 =	vand.u32 $0x71, v8;
	v6 =	vand.u32 $0xC00, v9;
	(v2sf) =	vpush v3, $0x3  }
0x11e: {  	[tilespmem:v4+s18+$0x0] =	vst.idx.msk $0xffff, v7;
	v4 =	vor.u32 v5, v6;
	s26 =	spop (v2sf)  }
0x11f: {  	v5 =	vld [tilespmem:s26+$0x480];
	v6 =	vadd.s32 v1, v4  }
0x120: {  	v4 =	vadd.s32 v2, v4;
	v7 =	vld [tilespmem:s26+$0x490]  }
0x121: {  	s26 =	sadd.s32 $0xFFFFFFF3, s23  }
0x122: {  	v8 =	vmov s26  }
0x123: {  	v9 =	vshll.u32 v8, $0x3  }
0x124: {  	[tilespmem:v6+s18+$0x0] =	vst.idx.msk $0xffff, v5;
	v5 =	vand.u32 $0x72, v8;
	v6 =	vand.u32 $0xC00, v9;
	(v2sf) =	vpush v3, $0x4  }
0x125: {  	[tilespmem:v4+s18+$0x0] =	vst.idx.msk $0xffff, v7;
	v4 =	vor.u32 v5, v6;
	s26 =	spop (v2sf)  }
0x126: {  	v5 =	vld [tilespmem:s26+$0x500];
	v6 =	vadd.s32 v1, v4  }
0x127: {  	v4 =	vadd.s32 v2, v4;
	v7 =	vld [tilespmem:s26+$0x510]  }
0x128: {  	s26 =	sadd.s32 $0xFFFFFFF4, s23  }
0x129: {  	v8 =	vmov s26  }
0x12a: {  	v9 =	vshll.u32 v8, $0x3  }
0x12b: {  	[tilespmem:v6+s18+$0x0] =	vst.idx.msk $0xffff, v5;
	v5 =	vand.u32 $0x73, v8;
	v6 =	vand.u32 $0xC00, v9;
	(v2sf) =	vpush v3, $0x5  }
0x12c: {  	[tilespmem:v4+s18+$0x0] =	vst.idx.msk $0xffff, v7;
	v4 =	vor.u32 v5, v6;
	s26 =	spop (v2sf)  }
0x12d: {  	v5 =	vld [tilespmem:s26+$0x580];
	v6 =	vadd.s32 v1, v4  }
0x12e: {  	v4 =	vadd.s32 v2, v4;
	v7 =	vld [tilespmem:s26+$0x590]  }
0x12f: {  	s26 =	sadd.s32 $0xFFFFFFF5, s23  }
0x130: {  	v8 =	vmov s26  }
0x131: {  	v9 =	vshll.u32 v8, $0x3  }
0x132: {  	[tilespmem:v6+s18+$0x0] =	vst.idx.msk $0xffff, v5;
	v5 =	vand.u32 $0x74, v8;
	v6 =	vand.u32 $0xC00, v9;
	(v2sf) =	vpush v3, $0x6  }
0x133: {  	[tilespmem:v4+s18+$0x0] =	vst.idx.msk $0xffff, v7;
	v4 =	vor.u32 v5, v6;
	s26 =	spop (v2sf)  }
0x134: {  	v5 =	vld [tilespmem:s26+$0x600];
	v6 =	vadd.s32 v1, v4  }
0x135: {  	v4 =	vadd.s32 v2, v4;
	v7 =	vld [tilespmem:s26+$0x610]  }
0x136: {  	s26 =	sadd.s32 $0xFFFFFFF6, s23  }
0x137: {  	v8 =	vmov s26  }
0x138: {  	v9 =	vshll.u32 v8, $0x3  }
0x139: {  	[tilespmem:v6+s18+$0x0] =	vst.idx.msk $0xffff, v5;
	v5 =	vand.u32 $0x75, v8;
	v6 =	vand.u32 $0xC00, v9;
	(v2sf) =	vpush v3, $0x7  }
0x13a: {  	[tilespmem:v4+s18+$0x0] =	vst.idx.msk $0xffff, v7;
	v4 =	vor.u32 v5, v6;
	s26 =	spop (v2sf)  }
0x13b: {  	v5 =	vld [tilespmem:s26+$0x680];
	v6 =	vadd.s32 v1, v4  }
0x13c: {  	v4 =	vadd.s32 v2, v4;
	v7 =	vld [tilespmem:s26+$0x690]  }
0x13d: {  	s26 =	sadd.s32 $0xFFFFFFF7, s23  }
0x13e: {  	v8 =	vmov s26  }
0x13f: {  	v9 =	vshll.u32 v8, $0x3  }
0x140: {  	[tilespmem:v6+s18+$0x0] =	vst.idx.msk $0xffff, v5;
	v5 =	vand.u32 $0x76, v8;
	v6 =	vand.u32 $0xC00, v9;
	(v2sf) =	vpush v3, $0x8  }
0x141: {  	[tilespmem:v4+s18+$0x0] =	vst.idx.msk $0xffff, v7;
	v4 =	vor.u32 v5, v6;
	s26 =	spop (v2sf)  }
0x142: {  	v5 =	vld [tilespmem:s26+$0x700];
	v6 =	vadd.s32 v1, v4  }
0x143: {  	v4 =	vadd.s32 v2, v4;
	v7 =	vld [tilespmem:s26+$0x710]  }
0x144: {  	s26 =	sadd.s32 $0xFFFFFFF8, s23  }
0x145: {  	v8 =	vmov s26  }
0x146: {  	v9 =	vshll.u32 v8, $0x3  }
0x147: {  	[tilespmem:v6+s18+$0x0] =	vst.idx.msk $0xffff, v5;
	v5 =	vand.u32 $0x77, v8;
	v6 =	vand.u32 $0xC00, v9;
	(v2sf) =	vpush v3, $0x9  }
0x148: {  	[tilespmem:v4+s18+$0x0] =	vst.idx.msk $0xffff, v7;
	v4 =	vor.u32 v5, v6;
	s26 =	spop (v2sf)  }
0x149: {  	v5 =	vld [tilespmem:s26+$0x780];
	v6 =	vadd.s32 v1, v4  }
0x14a: {  	v4 =	vadd.s32 v2, v4;
	v7 =	vld [tilespmem:s26+$0x790]  }
0x14b: {  	s26 =	sadd.s32 $0xFFFFFFF9, s23  }
0x14c: {  	v8 =	vmov s26  }
0x14d: {  	v9 =	vshll.u32 v8, $0x3  }
0x14e: {  	[tilespmem:v6+s18+$0x0] =	vst.idx.msk $0xffff, v5;
	v5 =	vand.u32 $0x78, v8;
	v6 =	vand.u32 $0xC00, v9;
	(v2sf) =	vpush v3, $0xA  }
0x14f: {  	[tilespmem:v4+s18+$0x0] =	vst.idx.msk $0xffff, v7;
	v4 =	vor.u32 v5, v6;
	s26 =	spop (v2sf)  }
0x150: {  	v5 =	vld [tilespmem:s26+$0x800];
	v6 =	vadd.s32 v1, v4  }
0x151: {  	v4 =	vadd.s32 v2, v4;
	v7 =	vld [tilespmem:s26+$0x810]  }
0x152: {  	s26 =	sadd.s32 $0xFFFFFFFA, s23  }
0x153: {  	v8 =	vmov s26  }
0x154: {  	v9 =	vshll.u32 v8, $0x3  }
0x155: {  	[tilespmem:v6+s18+$0x0] =	vst.idx.msk $0xffff, v5;
	v5 =	vand.u32 $0x79, v8;
	v6 =	vand.u32 $0xC00, v9;
	(v2sf) =	vpush v3, $0xB  }
0x156: {  	[tilespmem:v4+s18+$0x0] =	vst.idx.msk $0xffff, v7;
	v4 =	vor.u32 v5, v6;
	s26 =	spop (v2sf)  }
0x157: {  	v5 =	vld [tilespmem:s26+$0x880];
	v6 =	vadd.s32 v1, v4  }
0x158: {  	v4 =	vadd.s32 v2, v4;
	v7 =	vld [tilespmem:s26+$0x890]  }
0x159: {  	s26 =	sadd.s32 $0xFFFFFFFB, s23  }
0x15a: {  	v8 =	vmov s26  }
0x15b: {  	v9 =	vshll.u32 v8, $0x3  }
0x15c: {  	[tilespmem:v6+s18+$0x0] =	vst.idx.msk $0xffff, v5;
	v5 =	vand.u32 $0x7A, v8;
	v6 =	vand.u32 $0xC00, v9;
	(v2sf) =	vpush v3, $0xC  }
0x15d: {  	[tilespmem:v4+s18+$0x0] =	vst.idx.msk $0xffff, v7;
	v4 =	vor.u32 v5, v6;
	s26 =	spop (v2sf)  }
0x15e: {  	v5 =	vld [tilespmem:s26+$0x900];
	v6 =	vadd.s32 v1, v4  }
0x15f: {  	v4 =	vadd.s32 v2, v4;
	v7 =	vld [tilespmem:s26+$0x910]  }
0x160: {  	s26 =	sadd.s32 $0xFFFFFFFC, s23  }
0x161: {  	v8 =	vmov s26  }
0x162: {  	v9 =	vshll.u32 v8, $0x3  }
0x163: {  	[tilespmem:v6+s18+$0x0] =	vst.idx.msk $0xffff, v5;
	v5 =	vand.u32 $0x7B, v8;
	v6 =	vand.u32 $0xC00, v9;
	(v2sf) =	vpush v3, $0xD  }
0x164: {  	[tilespmem:v4+s18+$0x0] =	vst.idx.msk $0xffff, v7;
	v4 =	vor.u32 v5, v6;
	s26 =	spop (v2sf)  }
0x165: {  	v5 =	vld [tilespmem:s26+$0x980];
	v6 =	vadd.s32 v1, v4  }
0x166: {  	v4 =	vadd.s32 v2, v4;
	v7 =	vld [tilespmem:s26+$0x990]  }
0x167: {  	s26 =	sadd.s32 $0xFFFFFFFD, s23  }
0x168: {  	v8 =	vmov s26  }
0x169: {  	v9 =	vshll.u32 v8, $0x3  }
0x16a: {  	[tilespmem:v6+s18+$0x0] =	vst.idx.msk $0xffff, v5;
	v5 =	vand.u32 $0x7C, v8;
	v6 =	vand.u32 $0xC00, v9;
	(v2sf) =	vpush v3, $0xE  }
0x16b: {  	[tilespmem:v4+s18+$0x0] =	vst.idx.msk $0xffff, v7;
	v4 =	vor.u32 v5, v6;
	s26 =	spop (v2sf)  }
0x16c: {  	v5 =	vld [tilespmem:s26+$0xA00];
	v6 =	vadd.s32 v1, v4  }
0x16d: {  	v4 =	vadd.s32 v2, v4;
	v7 =	vld [tilespmem:s26+$0xA10]  }
0x16e: {  	s26 =	sadd.s32 $0xFFFFFFFE, s23  }
0x16f: {  	v8 =	vmov s26  }
0x170: {  	v9 =	vshll.u32 v8, $0x3  }
0x171: {  	[tilespmem:v6+s18+$0x0] =	vst.idx.msk $0xffff, v5;
	v5 =	vand.u32 $0x7D, v8;
	v6 =	vand.u32 $0xC00, v9;
	(v2sf) =	vpush v3, $0xF  }
0x172: {  	[tilespmem:v4+s18+$0x0] =	vst.idx.msk $0xffff, v7;
	v3 =	vor.u32 v5, v6;
	s26 =	spop (v2sf)  }
0x173: {  	v4 =	vld [tilespmem:s26+$0xA80];
	v5 =	vadd.s32 v1, v3  }
0x174: {  	v3 =	vadd.s32 v2, v3;
	v6 =	vld [tilespmem:s26+$0xA90]  }
0x175: {  	s26 =	sadd.s32 $0xFFFFFFFF, s23  }
0x176: {  	v7 =	vmov s26  }
0x177: {  	v8 =	vshll.u32 v7, $0x3  }
0x178: {  	[tilespmem:v5+s18+$0x0] =	vst.idx.msk $0xffff, v4;
	v4 =	vand.u32 $0x7E, v7;
	v5 =	vand.u32 $0xC00, v8  }
0x179: {  	[tilespmem:v3+s18+$0x0] =	vst.idx.msk $0xffff, v6;
	v3 =	vor.u32 v4, v5;
	s26 =	spop (v2sf)  }
0x17a: {  	v4 =	vld [tilespmem:s26+$0xB00];
	v5 =	vadd.s32 v1, v3  }
0x17b: {  	v3 =	vadd.s32 v2, v3;
	v6 =	vld [tilespmem:s26+$0xB10];
	_ =	sdelay $0x1  }
0x17c: {  	v7 =	vmov s23  }
0x17d: {  	v8 =	vshll.u32 v7, $0x3  }
0x17e: {  	[tilespmem:v5+s18+$0x0] =	vst.idx.msk $0xffff, v4;
	v4 =	vand.u32 $0x7F, v7;
	v5 =	vand.u32 $0xC00, v8  }
0x17f: {  	[tilespmem:v3+s18+$0x0] =	vst.idx.msk $0xffff, v6;
	v4 =	vor.u32 v4, v5;
	s26 =	spop (v2sf)  }
0x180: {  	v5 =	vld [tilespmem:s26+$0xB80];
	v6 =	vadd.s32 v1, v4  }
.Ltmp0:
0x181: {  	v4 =	vadd.s32 v2, v4;
	v3 =	vld [tilespmem:s26+$0xB90];
	(pc) =	sbr.rel @p0 .LBB2_2-.Ltmp0, $2  }
0x182: {  	_ =	sdelay $0x2  }
0x183: {  	[tilespmem:v6+s18+$0x0] =	vst.idx.msk $0xffff, v5  }
0x184: {  	_ =	sdelay $0x3  }
0x185: {  	[tilespmem:v4+s18+$0x0] =	vst.idx.msk $0xffff, v3  }
0x186: {  	[hbm4b:s5+s2] =	stream.linear.scatter [tilespmem:s18], [sflag:$0x2], $0x1000, $0x38;
	[tilespmem:$0x15400] =	vst v63  }
0x187: {  	s23 =	sadd.s32 $0x4000, s5;
	s22 =	sadd.s32 $0x1, s22  }
0x188: {  	[hbm4b:s23+s2] =	stream.linear.scatter [tilespmem:s19], [sflag:$0x2], $0x1000, $0x38;
	[tilespmem:$0x15400] =	vst v63  }
0x189: {  	s30 =	sadd.s32 $0x8000, s5;
	p0 =	sne.s32 s22, s6  }
0x18a: {  	[hbm4b:s30+s2] =	stream.linear.scatter [tilespmem:s20], [sflag:$0x2], $0x1000, $0x38;
	[tilespmem:$0x15400] =	vst v63  }
.Ltmp1:
0x18b: {  	s31 =	sadd.s32 $0xC000, s5;
	(pc) =	sbr.rel @p0 .LBB2_1-.Ltmp1, $4  }
0x18c: {  	[hbm4b:s31+s2] =	stream.linear.scatter [tilespmem:s21], [sflag:$0x2], $0x1000, $0x38;
	[tilespmem:$0x15400] =	vst v63  }
0x18d: {  	_ =	swait.ge [sflag:s7], $0x4000  }
0x18e: {  	[sflag:s7] =	ssyncset.done $0x0  }
0x18f: {  	[sflag:s7] =	ssyncadd.s32 $0xFFFFC000  }
0x190: {  	_ =	sfence.sel $0x180000  }
0x191: {  	[bflag:$0x0] =	sbarrier.arrive $0xFFFF  }
0x192: {  	p0 =	sne.s32 s1, $0x0;
	_ =	strace $0x90000047  }
0x193: {  	s0 =	sadd.s32 @!p0 $0x100000, s0;
	[bflag:$0x2] =	sbarrier.arrive $0xFFFF  }
0x194: {  	[sflag:s0] =	ssyncadd.tile.s32 @!p0 $0x1;
	_ =	shalt  }
.Lfunc_end2:
_tile_overlayer_lowered:
.L_overlay_start_2:
0x195: {  	(tag) =	ssettag $0x2  }
0x196: {  	s0 =	rddreg [dreg:$0x0];
	s2 =	stileid.u32  }
0x197: {  	s1 =	rddreg [dreg:$0x1];
	p0 =	sne.s32 s2, $0x0  }
0x198: {  	s3 =	rddreg [dreg:$0x2];
	[bflag:$0x3] =	sbarrier.arrive $0xFFFF;
	s2 =	simm.s32 @!p0 $0x1C02  }
0x199: {  	[timem:s3], [sflag:s2] =	dma.local @!p0 [hbm:s0], s1  }
0x19a: {  	s0 =	simm.s32 @!p0 $0x2  }
0x19b: {  	_ =	swait.ge @!p0 [sflag:s0], s1  }
0x19c: {  	s1 =	ssub.s32 @!p0 $0x0, s1;
	[sflag:s0] =	ssyncset.done @!p0 $0x0  }
0x19d: {  	[sflag:s0] =	ssyncadd.s32 @!p0 s1  }
0x19e: {  	[bflag:$0x3] =	sbarrier.arrive $0xFFFF  }
0x19f: {  	_ =	shalt  }

</sc_bundles>
